<compile_context>
chip_gen: v7x
topology: tpu7x:2x2x1
jax: 0.10.2.dev20260603
libtpu: 0.0.44.dev20260713+nightly
codegen_flags: <defaults>
</compile_context>

<pallas_src>
import functools

import jax
import jax.numpy as jnp
from jax import lax
from jax.experimental import pallas as pl
from jax.experimental.pallas import tpu as pltpu
from jax.experimental.pallas import tpu_sc as plsc

_NC = 2
_NS = 16
_NW = _NC * _NS
_LANES = 16


@functools.cache
def _build(batch, seq, d):
    b_total = batch * seq
    b_per_w = b_total // _NW

    mesh = plsc.VectorSubcoreMesh(
        core_axis_name="c", subcore_axis_name="s",
        num_cores=_NC, num_subcores=_NS,
    )

    @functools.partial(
        pl.kernel,
        mesh=mesh,
        compiler_params=pltpu.CompilerParams(skip_device_barrier=True),
        out_type=jax.ShapeDtypeStruct((b_total, d), jnp.float32),
        scratch_types=[
            pltpu.VMEM((b_per_w,), jnp.int32),
            pltpu.VMEM((b_per_w, d), jnp.float32),
            pltpu.VMEM((b_per_w // 2, d), jnp.float32),
            [pltpu.SemaphoreType.DMA] * 8,
            pltpu.SemaphoreType.DMA,
        ],
    )
    def emb_kernel(ids_hbm, tok_hbm, pos_hbm, out_hbm, ids_v, rows_v, pos_v,
                   rsems, psem):
        wid = lax.axis_index("s") * _NC + lax.axis_index("c")
        base = wid * b_per_w
        pos_base = lax.rem(base, seq)

        pltpu.sync_copy(ids_hbm.at[wid], ids_v)
        half = b_per_w // 2
        pos_cp = pltpu.async_copy(
            pos_hbm.at[pl.ds(pos_base, half)], pos_v, psem
        )

        def fire16(i, carry):
            vec = ids_v[pl.ds(i * _LANES, _LANES)]
            for l in range(_LANES):
                tok = vec[l]
                pltpu.async_copy(
                    tok_hbm.at[pl.ds(tok, 1)],
                    rows_v.at[pl.ds(i * _LANES + l, 1)],
                    rsems[l % 8],
                )
            return carry

        lax.fori_loop(0, b_per_w // _LANES, fire16, 0)

        for q in range(8):
            pltpu.make_async_copy(
                tok_hbm.at[pl.ds(0, b_per_w // 8)],
                rows_v.at[pl.ds(q * (b_per_w // 8), b_per_w // 8)],
                rsems[q],
            ).wait()

        def half_pass(h):
            hbase = h * half
            pos_cp_h = pltpu.make_async_copy(
                pos_hbm.at[pl.ds(pos_base + hbase, half)], pos_v, psem
            )
            pos_cp_h.wait()
            if h == 0:
                pass

            def add_row(i, carry):
                for c in range(d // _LANES):
                    sl = pl.ds(c * _LANES, _LANES)
                    rows_v[hbase + i, sl] = rows_v[hbase + i, sl] + pos_v[i, sl]
                return carry

            lax.fori_loop(0, half, add_row, 0)

        half_pass(0)
        pltpu.async_copy(pos_hbm.at[pl.ds(pos_base + half, half)], pos_v, psem)
        half_pass(1)

        pltpu.sync_copy(rows_v, out_hbm.at[pl.ds(base, b_per_w)])

    return emb_kernel


def kernel(token_ids, token_table, pos_table):
    batch, seq = token_ids.shape
    d = token_table.shape[1]
    b_per_w = (batch * seq) // _NW
    ids = token_ids.astype(jnp.int32).reshape(_NW, b_per_w)
    out = _build(batch, seq, d)(ids, token_table, pos_table)
    return out.reshape(batch, seq, d)

# --- scband reference (transcript-rebuilt; emitter-appended) ---
"""Pipeline reference for scband-transformer-embedding-33612414058742 (READ-ONLY COPY).

The authoritative reference and input builder live on the scoring server;
editing this copy changes nothing except your own understanding.
"""

import jax, jax.numpy as jnp
import numpy as np

VOCAB_SIZE = 1000000
EMBED_DIM = 64
MAX_SEQ_LEN = 4096
BATCH = 4
SEQ_LEN = 4096


def setup_inputs(seed: int = 0) -> dict:
    key = jax.random.key(seed)
    k1, k2, k3 = jax.random.split(key, 3)
    token_ids = jax.random.randint(k1, (BATCH, SEQ_LEN), 0, VOCAB_SIZE, dtype=jnp.int64 if jax.config.jax_enable_x64 else jnp.int32)
    token_table = jax.random.normal(k2, (VOCAB_SIZE, EMBED_DIM), dtype=jnp.float32) * 0.02
    pos_table = jax.random.normal(k3, (MAX_SEQ_LEN, EMBED_DIM), dtype=jnp.float32) * 0.02
    return {"token_ids": token_ids, "token_table": token_table, "pos_table": pos_table}


def reference(token_ids, token_table, pos_table):
    # token embedding lookup: (B, S) -> (B, S, D)
    token_embeds = jnp.take(token_table, token_ids, axis=0)
    # positional embedding lookup: (S,) -> (S, D)
    seq_len = token_ids.shape[1]
    positions = jnp.arange(seq_len)
    pos_embeds = jnp.take(pos_table, positions, axis=0)
    # add (broadcast over batch); dropout is identity in eval mode
    embeddings = token_embeds + pos_embeds[None, :, :]
    return embeddings

if __name__ == "__main__":
    import jax
    _d = setup_inputs()
    print(jax.jit(kernel)(*tuple(_d.values())))

</pallas_src>

<mosaic_0001>
#map = affine_map<(d0, d1) -> (0, 0)>
module attributes {stable_mosaic.version = 14 : i64} {
  func.func @emb_kernel(%arg0: i32, %arg1: i32, %arg2: memref<32x512xi32, #tpu.memory_space<hbm>>, %arg3: memref<1000000x64xf32, #tpu.memory_space<hbm>>, %arg4: memref<4096x64xf32, #tpu.memory_space<hbm>>, %arg5: memref<16384x64xf32, #tpu.memory_space<hbm>>, %arg6: memref<512xi32, #tpu.memory_space<vmem>>, %arg7: memref<512x64xf32, #tpu.memory_space<vmem>>, %arg8: memref<256x64xf32, #tpu.memory_space<vmem>>, %arg9: memref<!tpu.dma_semaphore, #tpu.memory_space<semaphore_mem>>, %arg10: memref<!tpu.dma_semaphore, #tpu.memory_space<semaphore_mem>>, %arg11: memref<!tpu.dma_semaphore, #tpu.memory_space<semaphore_mem>>, %arg12: memref<!tpu.dma_semaphore, #tpu.memory_space<semaphore_mem>>, %arg13: memref<!tpu.dma_semaphore, #tpu.memory_space<semaphore_mem>>, %arg14: memref<!tpu.dma_semaphore, #tpu.memory_space<semaphore_mem>>, %arg15: memref<!tpu.dma_semaphore, #tpu.memory_space<semaphore_mem>>, %arg16: memref<!tpu.dma_semaphore, #tpu.memory_space<semaphore_mem>>, %arg17: memref<!tpu.dma_semaphore, #tpu.memory_space<semaphore_mem>>) attributes {dimension_semantics = [#tpu.dimension_semantics<core_parallel>, #tpu.dimension_semantics<subcore_parallel>], iteration_bounds = array<i64: 2, 16>, scalar_prefetch = 0 : i64, scratch_operands = 12 : i64, tpu.core_type = #tpu.core_type<sc_vector_subcore>, window_params = [{transform_indices = #map}, {transform_indices = #map}, {transform_indices = #map}, {transform_indices = #map}]} {
    %mul3A = arith.constant 2 : i32
    %mul3A_0 = arith.muli %arg1, %mul3A : i32
    %add3A = arith.addi %mul3A_0, %arg0 : i32
    %mul3A_1 = arith.constant 512 : i32
    %mul3A_2 = arith.muli %add3A, %mul3A_1 : i32
    %rem3A = arith.constant 4096 : i32
    %rem3A_3 = arith.remsi %mul3A_2, %rem3A : i32
    "tpu.region"() ({
      %run_scoped3A = tpu.sem_alloc : memref<!tpu.dma_semaphore, #tpu.memory_space<semaphore_mem>>
      %dma_start3A_137 = arith.constant 0 : i32
      %dma_start3A_138 = tpu.memref_slice %arg2[%add3A, %dma_start3A_137] : memref<32x512xi32, #tpu.memory_space<hbm>> -> memref<1x512xi32, #tpu.memory_space<hbm>>
      %dma_start3A_139 = tpu.memref_squeeze %dma_start3A_138 : memref<1x512xi32, #tpu.memory_space<hbm>> -> memref<512xi32, #tpu.memory_space<hbm>>
      %dma_start3A_140 = arith.constant 0 : i32
      %dma_start3A_141 = tpu.memref_slice %arg2[%add3A, %dma_start3A_140] : memref<32x512xi32, #tpu.memory_space<hbm>> -> memref<1x512xi32, #tpu.memory_space<hbm>>
      %dma_start3A_142 = tpu.memref_squeeze %dma_start3A_141 : memref<1x512xi32, #tpu.memory_space<hbm>> -> memref<512xi32, #tpu.memory_space<hbm>>
      tpu.enqueue_dma source(%dma_start3A_142 : memref<512xi32, #tpu.memory_space<hbm>>) target(%arg6 : memref<512xi32, #tpu.memory_space<vmem>>) target_semaphore(%run_scoped3A : memref<!tpu.dma_semaphore, #tpu.memory_space<semaphore_mem>>)
      %dma_wait3A_143 = arith.constant 0 : i32
      %dma_wait3A_144 = tpu.memref_slice %arg2[%add3A, %dma_wait3A_143] : memref<32x512xi32, #tpu.memory_space<hbm>> -> memref<1x512xi32, #tpu.memory_space<hbm>>
      %dma_wait3A_145 = tpu.memref_squeeze %dma_wait3A_144 : memref<1x512xi32, #tpu.memory_space<hbm>> -> memref<512xi32, #tpu.memory_space<hbm>>
      %dma_wait3A_146 = arith.constant 0 : i32
      %dma_wait3A_147 = tpu.memref_slice %arg2[%add3A, %dma_wait3A_146] : memref<32x512xi32, #tpu.memory_space<hbm>> -> memref<1x512xi32, #tpu.memory_space<hbm>>
      %dma_wait3A_148 = tpu.memref_squeeze %dma_wait3A_147 : memref<1x512xi32, #tpu.memory_space<hbm>> -> memref<512xi32, #tpu.memory_space<hbm>>
      tpu.wait_dma2 semaphore(%run_scoped3A : memref<!tpu.dma_semaphore, #tpu.memory_space<semaphore_mem>>) src(%dma_wait3A_148 : memref<512xi32, #tpu.memory_space<hbm>>) dst(%arg6 : memref<512xi32, #tpu.memory_space<vmem>>)
      tpu.yield
    }) : () -> ()
    %dma_start3A = arith.constant 0 : i32
    %dma_start3A_4 = tpu.memref_slice %arg4[%rem3A_3, %dma_start3A] : memref<4096x64xf32, #tpu.memory_space<hbm>> -> memref<256x64xf32, #tpu.memory_space<hbm>>
    %dma_start3A_5 = arith.constant 0 : i32
    %dma_start3A_6 = tpu.memref_slice %arg4[%rem3A_3, %dma_start3A_5] : memref<4096x64xf32, #tpu.memory_space<hbm>> -> memref<256x64xf32, #tpu.memory_space<hbm>>
    tpu.enqueue_dma source(%dma_start3A_6 : memref<256x64xf32, #tpu.memory_space<hbm>>) target(%arg8 : memref<256x64xf32, #tpu.memory_space<vmem>>) target_semaphore(%arg17 : memref<!tpu.dma_semaphore, #tpu.memory_space<semaphore_mem>>)
    %scan3A = arith.constant 0 : i32
    %scan3A_7 = arith.constant 0 : i32
    %scan3A_8 = arith.constant 32 : i32
    %scan3A_9 = arith.addi %scan3A_7, %scan3A_8 : i32
    %scan3A_10 = arith.constant 1 : i32
    scf.for %scan3A_137 = %scan3A_7 to %scan3A_9 step %scan3A_10  : i32 {
      %mul3A_138 = arith.constant 16 : i32
      %mul3A_139 = arith.muli %scan3A_137, %mul3A_138 : i32
      %get3A = arith.index_cast %mul3A_139 : i32 to index
      %get3A_140 = tpu.vector_load %arg6[%get3A] {strides = array<i32>} : memref<512xi32, #tpu.memory_space<vmem>>, vector<16xi32>,
      %get3A_141 = vector.shape_cast %get3A_140 : vector<16xi32> to vector<16xi32>
      %slice3A = vector.extract_strided_slice %get3A_141 {offsets = [0], sizes = [1], strides = [1]} : vector<16xi32> to vector<1xi32>
      %squeeze3A = vector.extract %slice3A[0] : i32 from vector<1xi32>
      %mul3A_142 = arith.constant 16 : i32
      %mul3A_143 = arith.muli %scan3A_137, %mul3A_142 : i32
      %add3A_144 = arith.constant 0 : i32
      %add3A_145 = arith.addi %mul3A_143, %add3A_144 : i32
      %dma_start3A_146 = arith.constant 0 : i32
      %dma_start3A_147 = tpu.memref_slice %arg7[%add3A_145, %dma_start3A_146] : memref<512x64xf32, #tpu.memory_space<vmem>> -> memref<1x64xf32, #tpu.memory_space<vmem>>
      %dma_start3A_148 = arith.constant 0 : i32
      %dma_start3A_149 = tpu.memref_slice %arg3[%squeeze3A, %dma_start3A_148] : memref<1000000x64xf32, #tpu.memory_space<hbm>> -> memref<1x64xf32, #tpu.memory_space<hbm>>
      %dma_start3A_150 = arith.constant 0 : i32
      %dma_start3A_151 = tpu.memref_slice %arg7[%add3A_145, %dma_start3A_150] : memref<512x64xf32, #tpu.memory_space<vmem>> -> memref<1x64xf32, #tpu.memory_space<vmem>>
      %dma_start3A_152 = arith.constant 0 : i32
      %dma_start3A_153 = tpu.memref_slice %arg3[%squeeze3A, %dma_start3A_152] : memref<1000000x64xf32, #tpu.memory_space<hbm>> -> memref<1x64xf32, #tpu.memory_space<hbm>>
      tpu.enqueue_dma source(%dma_start3A_153 : memref<1x64xf32, #tpu.memory_space<hbm>>) target(%dma_start3A_151 : memref<1x64xf32, #tpu.memory_space<vmem>>) target_semaphore(%arg9 : memref<!tpu.dma_semaphore, #tpu.memory_space<semaphore_mem>>)
      %slice3A_154 = vector.extract_strided_slice %get3A_141 {offsets = [1], sizes = [1], strides = [1]} : vector<16xi32> to vector<1xi32>
      %squeeze3A_155 = vector.extract %slice3A_154[0] : i32 from vector<1xi32>
      %mul3A_156 = arith.constant 16 : i32
      %mul3A_157 = arith.muli %scan3A_137, %mul3A_156 : i32
      %add3A_158 = arith.constant 1 : i32
      %add3A_159 = arith.addi %mul3A_157, %add3A_158 : i32
      %dma_start3A_160 = arith.constant 0 : i32
      %dma_start3A_161 = tpu.memref_slice %arg7[%add3A_159, %dma_start3A_160] : memref<512x64xf32, #tpu.memory_space<vmem>> -> memref<1x64xf32, #tpu.memory_space<vmem>>
      %dma_start3A_162 = arith.constant 0 : i32
      %dma_start3A_163 = tpu.memref_slice %arg3[%squeeze3A_155, %dma_start3A_162] : memref<1000000x64xf32, #tpu.memory_space<hbm>> -> memref<1x64xf32, #tpu.memory_space<hbm>>
      %dma_start3A_164 = arith.constant 0 : i32
      %dma_start3A_165 = tpu.memref_slice %arg7[%add3A_159, %dma_start3A_164] : memref<512x64xf32, #tpu.memory_space<vmem>> -> memref<1x64xf32, #tpu.memory_space<vmem>>
      %dma_start3A_166 = arith.constant 0 : i32
      %dma_start3A_167 = tpu.memref_slice %arg3[%squeeze3A_155, %dma_start3A_166] : memref<1000000x64xf32, #tpu.memory_space<hbm>> -> memref<1x64xf32, #tpu.memory_space<hbm>>
      tpu.enqueue_dma source(%dma_start3A_167 : memref<1x64xf32, #tpu.memory_space<hbm>>) target(%dma_start3A_165 : memref<1x64xf32, #tpu.memory_space<vmem>>) target_semaphore(%arg10 : memref<!tpu.dma_semaphore, #tpu.memory_space<semaphore_mem>>)
      %slice3A_168 = vector.extract_strided_slice %get3A_141 {offsets = [2], sizes = [1], strides = [1]} : vector<16xi32> to vector<1xi32>
      %squeeze3A_169 = vector.extract %slice3A_168[0] : i32 from vector<1xi32>
      %mul3A_170 = arith.constant 16 : i32
      %mul3A_171 = arith.muli %scan3A_137, %mul3A_170 : i32
      %add3A_172 = arith.constant 2 : i32
      %add3A_173 = arith.addi %mul3A_171, %add3A_172 : i32
      %dma_start3A_174 = arith.constant 0 : i32
      %dma_start3A_175 = tpu.memref_slice %arg7[%add3A_173, %dma_start3A_174] : memref<512x64xf32, #tpu.memory_space<vmem>> -> memref<1x64xf32, #tpu.memory_space<vmem>>
      %dma_start3A_176 = arith.constant 0 : i32
      %dma_start3A_177 = tpu.memref_slice %arg3[%squeeze3A_169, %dma_start3A_176] : memref<1000000x64xf32, #tpu.memory_space<hbm>> -> memref<1x64xf32, #tpu.memory_space<hbm>>
      %dma_start3A_178 = arith.constant 0 : i32
      %dma_start3A_179 = tpu.memref_slice %arg7[%add3A_173, %dma_start3A_178] : memref<512x64xf32, #tpu.memory_space<vmem>> -> memref<1x64xf32, #tpu.memory_space<vmem>>
      %dma_start3A_180 = arith.constant 0 : i32
      %dma_start3A_181 = tpu.memref_slice %arg3[%squeeze3A_169, %dma_start3A_180] : memref<1000000x64xf32, #tpu.memory_space<hbm>> -> memref<1x64xf32, #tpu.memory_space<hbm>>
      tpu.enqueue_dma source(%dma_start3A_181 : memref<1x64xf32, #tpu.memory_space<hbm>>) target(%dma_start3A_179 : memref<1x64xf32, #tpu.memory_space<vmem>>) target_semaphore(%arg11 : memref<!tpu.dma_semaphore, #tpu.memory_space<semaphore_mem>>)
      %slice3A_182 = vector.extract_strided_slice %get3A_141 {offsets = [3], sizes = [1], strides = [1]} : vector<16xi32> to vector<1xi32>
      %squeeze3A_183 = vector.extract %slice3A_182[0] : i32 from vector<1xi32>
      %mul3A_184 = arith.constant 16 : i32
      %mul3A_185 = arith.muli %scan3A_137, %mul3A_184 : i32
      %add3A_186 = arith.constant 3 : i32
      %add3A_187 = arith.addi %mul3A_185, %add3A_186 : i32
      %dma_start3A_188 = arith.constant 0 : i32
      %dma_start3A_189 = tpu.memref_slice %arg7[%add3A_187, %dma_start3A_188] : memref<512x64xf32, #tpu.memory_space<vmem>> -> memref<1x64xf32, #tpu.memory_space<vmem>>
      %dma_start3A_190 = arith.constant 0 : i32
      %dma_start3A_191 = tpu.memref_slice %arg3[%squeeze3A_183, %dma_start3A_190] : memref<1000000x64xf32, #tpu.memory_space<hbm>> -> memref<1x64xf32, #tpu.memory_space<hbm>>
      %dma_start3A_192 = arith.constant 0 : i32
      %dma_start3A_193 = tpu.memref_slice %arg7[%add3A_187, %dma_start3A_192] : memref<512x64xf32, #tpu.memory_space<vmem>> -> memref<1x64xf32, #tpu.memory_space<vmem>>
      %dma_start3A_194 = arith.constant 0 : i32
      %dma_start3A_195 = tpu.memref_slice %arg3[%squeeze3A_183, %dma_start3A_194] : memref<1000000x64xf32, #tpu.memory_space<hbm>> -> memref<1x64xf32, #tpu.memory_space<hbm>>
      tpu.enqueue_dma source(%dma_start3A_195 : memref<1x64xf32, #tpu.memory_space<hbm>>) target(%dma_start3A_193 : memref<1x64xf32, #tpu.memory_space<vmem>>) target_semaphore(%arg12 : memref<!tpu.dma_semaphore, #tpu.memory_space<semaphore_mem>>)
      %slice3A_196 = vector.extract_strided_slice %get3A_141 {offsets = [4], sizes = [1], strides = [1]} : vector<16xi32> to vector<1xi32>
      %squeeze3A_197 = vector.extract %slice3A_196[0] : i32 from vector<1xi32>
      %mul3A_198 = arith.constant 16 : i32
      %mul3A_199 = arith.muli %scan3A_137, %mul3A_198 : i32
      %add3A_200 = arith.constant 4 : i32
      %add3A_201 = arith.addi %mul3A_199, %add3A_200 : i32
      %dma_start3A_202 = arith.constant 0 : i32
      %dma_start3A_203 = tpu.memref_slice %arg7[%add3A_201, %dma_start3A_202] : memref<512x64xf32, #tpu.memory_space<vmem>> -> memref<1x64xf32, #tpu.memory_space<vmem>>
      %dma_start3A_204 = arith.constant 0 : i32
      %dma_start3A_205 = tpu.memref_slice %arg3[%squeeze3A_197, %dma_start3A_204] : memref<1000000x64xf32, #tpu.memory_space<hbm>> -> memref<1x64xf32, #tpu.memory_space<hbm>>
      %dma_start3A_206 = arith.constant 0 : i32
      %dma_start3A_207 = tpu.memref_slice %arg7[%add3A_201, %dma_start3A_206] : memref<512x64xf32, #tpu.memory_space<vmem>> -> memref<1x64xf32, #tpu.memory_space<vmem>>
      %dma_start3A_208 = arith.constant 0 : i32
      %dma_start3A_209 = tpu.memref_slice %arg3[%squeeze3A_197, %dma_start3A_208] : memref<1000000x64xf32, #tpu.memory_space<hbm>> -> memref<1x64xf32, #tpu.memory_space<hbm>>
      tpu.enqueue_dma source(%dma_start3A_209 : memref<1x64xf32, #tpu.memory_space<hbm>>) target(%dma_start3A_207 : memref<1x64xf32, #tpu.memory_space<vmem>>) target_semaphore(%arg13 : memref<!tpu.dma_semaphore, #tpu.memory_space<semaphore_mem>>)
      %slice3A_210 = vector.extract_strided_slice %get3A_141 {offsets = [5], sizes = [1], strides = [1]} : vector<16xi32> to vector<1xi32>
      %squeeze3A_211 = vector.extract %slice3A_210[0] : i32 from vector<1xi32>
      %mul3A_212 = arith.constant 16 : i32
      %mul3A_213 = arith.muli %scan3A_137, %mul3A_212 : i32
      %add3A_214 = arith.constant 5 : i32
      %add3A_215 = arith.addi %mul3A_213, %add3A_214 : i32
      %dma_start3A_216 = arith.constant 0 : i32
      %dma_start3A_217 = tpu.memref_slice %arg7[%add3A_215, %dma_start3A_216] : memref<512x64xf32, #tpu.memory_space<vmem>> -> memref<1x64xf32, #tpu.memory_space<vmem>>
      %dma_start3A_218 = arith.constant 0 : i32
      %dma_start3A_219 = tpu.memref_slice %arg3[%squeeze3A_211, %dma_start3A_218] : memref<1000000x64xf32, #tpu.memory_space<hbm>> -> memref<1x64xf32, #tpu.memory_space<hbm>>
      %dma_start3A_220 = arith.constant 0 : i32
      %dma_start3A_221 = tpu.memref_slice %arg7[%add3A_215, %dma_start3A_220] : memref<512x64xf32, #tpu.memory_space<vmem>> -> memref<1x64xf32, #tpu.memory_space<vmem>>
      %dma_start3A_222 = arith.constant 0 : i32
      %dma_start3A_223 = tpu.memref_slice %arg3[%squeeze3A_211, %dma_start3A_222] : memref<1000000x64xf32, #tpu.memory_space<hbm>> -> memref<1x64xf32, #tpu.memory_space<hbm>>
      tpu.enqueue_dma source(%dma_start3A_223 : memref<1x64xf32, #tpu.memory_space<hbm>>) target(%dma_start3A_221 : memref<1x64xf32, #tpu.memory_space<vmem>>) target_semaphore(%arg14 : memref<!tpu.dma_semaphore, #tpu.memory_space<semaphore_mem>>)
      %slice3A_224 = vector.extract_strided_slice %get3A_141 {offsets = [6], sizes = [1], strides = [1]} : vector<16xi32> to vector<1xi32>
      %squeeze3A_225 = vector.extract %slice3A_224[0] : i32 from vector<1xi32>
      %mul3A_226 = arith.constant 16 : i32
      %mul3A_227 = arith.muli %scan3A_137, %mul3A_226 : i32
      %add3A_228 = arith.constant 6 : i32
      %add3A_229 = arith.addi %mul3A_227, %add3A_228 : i32
      %dma_start3A_230 = arith.constant 0 : i32
      %dma_start3A_231 = tpu.memref_slice %arg7[%add3A_229, %dma_start3A_230] : memref<512x64xf32, #tpu.memory_space<vmem>> -> memref<1x64xf32, #tpu.memory_space<vmem>>
      %dma_start3A_232 = arith.constant 0 : i32
      %dma_start3A_233 = tpu.memref_slice %arg3[%squeeze3A_225, %dma_start3A_232] : memref<1000000x64xf32, #tpu.memory_space<hbm>> -> memref<1x64xf32, #tpu.memory_space<hbm>>
      %dma_start3A_234 = arith.constant 0 : i32
      %dma_start3A_235 = tpu.memref_slice %arg7[%add3A_229, %dma_start3A_234] : memref<512x64xf32, #tpu.memory_space<vmem>> -> memref<1x64xf32, #tpu.memory_space<vmem>>
      %dma_start3A_236 = arith.constant 0 : i32
      %dma_start3A_237 = tpu.memref_slice %arg3[%squeeze3A_225, %dma_start3A_236] : memref<1000000x64xf32, #tpu.memory_space<hbm>> -> memref<1x64xf32, #tpu.memory_space<hbm>>
      tpu.enqueue_dma source(%dma_start3A_237 : memref<1x64xf32, #tpu.memory_space<hbm>>) target(%dma_start3A_235 : memref<1x64xf32, #tpu.memory_space<vmem>>) target_semaphore(%arg15 : memref<!tpu.dma_semaphore, #tpu.memory_space<semaphore_mem>>)
      %slice3A_238 = vector.extract_strided_slice %get3A_141 {offsets = [7], sizes = [1], strides = [1]} : vector<16xi32> to vector<1xi32>
      %squeeze3A_239 = vector.extract %slice3A_238[0] : i32 from vector<1xi32>
      %mul3A_240 = arith.constant 16 : i32
      %mul3A_241 = arith.muli %scan3A_137, %mul3A_240 : i32
      %add3A_242 = arith.constant 7 : i32
      %add3A_243 = arith.addi %mul3A_241, %add3A_242 : i32
      %dma_start3A_244 = arith.constant 0 : i32
      %dma_start3A_245 = tpu.memref_slice %arg7[%add3A_243, %dma_start3A_244] : memref<512x64xf32, #tpu.memory_space<vmem>> -> memref<1x64xf32, #tpu.memory_space<vmem>>
      %dma_start3A_246 = arith.constant 0 : i32
      %dma_start3A_247 = tpu.memref_slice %arg3[%squeeze3A_239, %dma_start3A_246] : memref<1000000x64xf32, #tpu.memory_space<hbm>> -> memref<1x64xf32, #tpu.memory_space<hbm>>
      %dma_start3A_248 = arith.constant 0 : i32
      %dma_start3A_249 = tpu.memref_slice %arg7[%add3A_243, %dma_start3A_248] : memref<512x64xf32, #tpu.memory_space<vmem>> -> memref<1x64xf32, #tpu.memory_space<vmem>>
      %dma_start3A_250 = arith.constant 0 : i32
      %dma_start3A_251 = tpu.memref_slice %arg3[%squeeze3A_239, %dma_start3A_250] : memref<1000000x64xf32, #tpu.memory_space<hbm>> -> memref<1x64xf32, #tpu.memory_space<hbm>>
      tpu.enqueue_dma source(%dma_start3A_251 : memref<1x64xf32, #tpu.memory_space<hbm>>) target(%dma_start3A_249 : memref<1x64xf32, #tpu.memory_space<vmem>>) target_semaphore(%arg16 : memref<!tpu.dma_semaphore, #tpu.memory_space<semaphore_mem>>)
      %slice3A_252 = vector.extract_strided_slice %get3A_141 {offsets = [8], sizes = [1], strides = [1]} : vector<16xi32> to vector<1xi32>
      %squeeze3A_253 = vector.extract %slice3A_252[0] : i32 from vector<1xi32>
      %mul3A_254 = arith.constant 16 : i32
      %mul3A_255 = arith.muli %scan3A_137, %mul3A_254 : i32
      %add3A_256 = arith.constant 8 : i32
      %add3A_257 = arith.addi %mul3A_255, %add3A_256 : i32
      %dma_start3A_258 = arith.constant 0 : i32
      %dma_start3A_259 = tpu.memref_slice %arg7[%add3A_257, %dma_start3A_258] : memref<512x64xf32, #tpu.memory_space<vmem>> -> memref<1x64xf32, #tpu.memory_space<vmem>>
      %dma_start3A_260 = arith.constant 0 : i32
      %dma_start3A_261 = tpu.memref_slice %arg3[%squeeze3A_253, %dma_start3A_260] : memref<1000000x64xf32, #tpu.memory_space<hbm>> -> memref<1x64xf32, #tpu.memory_space<hbm>>
      %dma_start3A_262 = arith.constant 0 : i32
      %dma_start3A_263 = tpu.memref_slice %arg7[%add3A_257, %dma_start3A_262] : memref<512x64xf32, #tpu.memory_space<vmem>> -> memref<1x64xf32, #tpu.memory_space<vmem>>
      %dma_start3A_264 = arith.constant 0 : i32
      %dma_start3A_265 = tpu.memref_slice %arg3[%squeeze3A_253, %dma_start3A_264] : memref<1000000x64xf32, #tpu.memory_space<hbm>> -> memref<1x64xf32, #tpu.memory_space<hbm>>
      tpu.enqueue_dma source(%dma_start3A_265 : memref<1x64xf32, #tpu.memory_space<hbm>>) target(%dma_start3A_263 : memref<1x64xf32, #tpu.memory_space<vmem>>) target_semaphore(%arg9 : memref<!tpu.dma_semaphore, #tpu.memory_space<semaphore_mem>>)
      %slice3A_266 = vector.extract_strided_slice %get3A_141 {offsets = [9], sizes = [1], strides = [1]} : vector<16xi32> to vector<1xi32>
      %squeeze3A_267 = vector.extract %slice3A_266[0] : i32 from vector<1xi32>
      %mul3A_268 = arith.constant 16 : i32
      %mul3A_269 = arith.muli %scan3A_137, %mul3A_268 : i32
      %add3A_270 = arith.constant 9 : i32
      %add3A_271 = arith.addi %mul3A_269, %add3A_270 : i32
      %dma_start3A_272 = arith.constant 0 : i32
      %dma_start3A_273 = tpu.memref_slice %arg7[%add3A_271, %dma_start3A_272] : memref<512x64xf32, #tpu.memory_space<vmem>> -> memref<1x64xf32, #tpu.memory_space<vmem>>
      %dma_start3A_274 = arith.constant 0 : i32
      %dma_start3A_275 = tpu.memref_slice %arg3[%squeeze3A_267, %dma_start3A_274] : memref<1000000x64xf32, #tpu.memory_space<hbm>> -> memref<1x64xf32, #tpu.memory_space<hbm>>
      %dma_start3A_276 = arith.constant 0 : i32
      %dma_start3A_277 = tpu.memref_slice %arg7[%add3A_271, %dma_start3A_276] : memref<512x64xf32, #tpu.memory_space<vmem>> -> memref<1x64xf32, #tpu.memory_space<vmem>>
      %dma_start3A_278 = arith.constant 0 : i32
      %dma_start3A_279 = tpu.memref_slice %arg3[%squeeze3A_267, %dma_start3A_278] : memref<1000000x64xf32, #tpu.memory_space<hbm>> -> memref<1x64xf32, #tpu.memory_space<hbm>>
      tpu.enqueue_dma source(%dma_start3A_279 : memref<1x64xf32, #tpu.memory_space<hbm>>) target(%dma_start3A_277 : memref<1x64xf32, #tpu.memory_space<vmem>>) target_semaphore(%arg10 : memref<!tpu.dma_semaphore, #tpu.memory_space<semaphore_mem>>)
      %slice3A_280 = vector.extract_strided_slice %get3A_141 {offsets = [10], sizes = [1], strides = [1]} : vector<16xi32> to vector<1xi32>
      %squeeze3A_281 = vector.extract %slice3A_280[0] : i32 from vector<1xi32>
      %mul3A_282 = arith.constant 16 : i32
      %mul3A_283 = arith.muli %scan3A_137, %mul3A_282 : i32
      %add3A_284 = arith.constant 10 : i32
      %add3A_285 = arith.addi %mul3A_283, %add3A_284 : i32
      %dma_start3A_286 = arith.constant 0 : i32
      %dma_start3A_287 = tpu.memref_slice %arg7[%add3A_285, %dma_start3A_286] : memref<512x64xf32, #tpu.memory_space<vmem>> -> memref<1x64xf32, #tpu.memory_space<vmem>>
      %dma_start3A_288 = arith.constant 0 : i32
      %dma_start3A_289 = tpu.memref_slice %arg3[%squeeze3A_281, %dma_start3A_288] : memref<1000000x64xf32, #tpu.memory_space<hbm>> -> memref<1x64xf32, #tpu.memory_space<hbm>>
      %dma_start3A_290 = arith.constant 0 : i32
      %dma_start3A_291 = tpu.memref_slice %arg7[%add3A_285, %dma_start3A_290] : memref<512x64xf32, #tpu.memory_space<vmem>> -> memref<1x64xf32, #tpu.memory_space<vmem>>
      %dma_start3A_292 = arith.constant 0 : i32
      %dma_start3A_293 = tpu.memref_slice %arg3[%squeeze3A_281, %dma_start3A_292] : memref<1000000x64xf32, #tpu.memory_space<hbm>> -> memref<1x64xf32, #tpu.memory_space<hbm>>
      tpu.enqueue_dma source(%dma_start3A_293 : memref<1x64xf32, #tpu.memory_space<hbm>>) target(%dma_start3A_291 : memref<1x64xf32, #tpu.memory_space<vmem>>) target_semaphore(%arg11 : memref<!tpu.dma_semaphore, #tpu.memory_space<semaphore_mem>>)
      %slice3A_294 = vector.extract_strided_slice %get3A_141 {offsets = [11], sizes = [1], strides = [1]} : vector<16xi32> to vector<1xi32>
      %squeeze3A_295 = vector.extract %slice3A_294[0] : i32 from vector<1xi32>
      %mul3A_296 = arith.constant 16 : i32
      %mul3A_297 = arith.muli %scan3A_137, %mul3A_296 : i32
      %add3A_298 = arith.constant 11 : i32
      %add3A_299 = arith.addi %mul3A_297, %add3A_298 : i32
      %dma_start3A_300 = arith.constant 0 : i32
      %dma_start3A_301 = tpu.memref_slice %arg7[%add3A_299, %dma_start3A_300] : memref<512x64xf32, #tpu.memory_space<vmem>> -> memref<1x64xf32, #tpu.memory_space<vmem>>
      %dma_start3A_302 = arith.constant 0 : i32
      %dma_start3A_303 = tpu.memref_slice %arg3[%squeeze3A_295, %dma_start3A_302] : memref<1000000x64xf32, #tpu.memory_space<hbm>> -> memref<1x64xf32, #tpu.memory_space<hbm>>
      %dma_start3A_304 = arith.constant 0 : i32
      %dma_start3A_305 = tpu.memref_slice %arg7[%add3A_299, %dma_start3A_304] : memref<512x64xf32, #tpu.memory_space<vmem>> -> memref<1x64xf32, #tpu.memory_space<vmem>>
      %dma_start3A_306 = arith.constant 0 : i32
      %dma_start3A_307 = tpu.memref_slice %arg3[%squeeze3A_295, %dma_start3A_306] : memref<1000000x64xf32, #tpu.memory_space<hbm>> -> memref<1x64xf32, #tpu.memory_space<hbm>>
      tpu.enqueue_dma source(%dma_start3A_307 : memref<1x64xf32, #tpu.memory_space<hbm>>) target(%dma_start3A_305 : memref<1x64xf32, #tpu.memory_space<vmem>>) target_semaphore(%arg12 : memref<!tpu.dma_semaphore, #tpu.memory_space<semaphore_mem>>)
      %slice3A_308 = vector.extract_strided_slice %get3A_141 {offsets = [12], sizes = [1], strides = [1]} : vector<16xi32> to vector<1xi32>
      %squeeze3A_309 = vector.extract %slice3A_308[0] : i32 from vector<1xi32>
      %mul3A_310 = arith.constant 16 : i32
      %mul3A_311 = arith.muli %scan3A_137, %mul3A_310 : i32
      %add3A_312 = arith.constant 12 : i32
      %add3A_313 = arith.addi %mul3A_311, %add3A_312 : i32
      %dma_start3A_314 = arith.constant 0 : i32
      %dma_start3A_315 = tpu.memref_slice %arg7[%add3A_313, %dma_start3A_314] : memref<512x64xf32, #tpu.memory_space<vmem>> -> memref<1x64xf32, #tpu.memory_space<vmem>>
      %dma_start3A_316 = arith.constant 0 : i32
      %dma_start3A_317 = tpu.memref_slice %arg3[%squeeze3A_309, %dma_start3A_316] : memref<1000000x64xf32, #tpu.memory_space<hbm>> -> memref<1x64xf32, #tpu.memory_space<hbm>>
      %dma_start3A_318 = arith.constant 0 : i32
      %dma_start3A_319 = tpu.memref_slice %arg7[%add3A_313, %dma_start3A_318] : memref<512x64xf32, #tpu.memory_space<vmem>> -> memref<1x64xf32, #tpu.memory_space<vmem>>
      %dma_start3A_320 = arith.constant 0 : i32
      %dma_start3A_321 = tpu.memref_slice %arg3[%squeeze3A_309, %dma_start3A_320] : memref<1000000x64xf32, #tpu.memory_space<hbm>> -> memref<1x64xf32, #tpu.memory_space<hbm>>
      tpu.enqueue_dma source(%dma_start3A_321 : memref<1x64xf32, #tpu.memory_space<hbm>>) target(%dma_start3A_319 : memref<1x64xf32, #tpu.memory_space<vmem>>) target_semaphore(%arg13 : memref<!tpu.dma_semaphore, #tpu.memory_space<semaphore_mem>>)
      %slice3A_322 = vector.extract_strided_slice %get3A_141 {offsets = [13], sizes = [1], strides = [1]} : vector<16xi32> to vector<1xi32>
      %squeeze3A_323 = vector.extract %slice3A_322[0] : i32 from vector<1xi32>
      %mul3A_324 = arith.constant 16 : i32
      %mul3A_325 = arith.muli %scan3A_137, %mul3A_324 : i32
      %add3A_326 = arith.constant 13 : i32
      %add3A_327 = arith.addi %mul3A_325, %add3A_326 : i32
      %dma_start3A_328 = arith.constant 0 : i32
      %dma_start3A_329 = tpu.memref_slice %arg7[%add3A_327, %dma_start3A_328] : memref<512x64xf32, #tpu.memory_space<vmem>> -> memref<1x64xf32, #tpu.memory_space<vmem>>
      %dma_start3A_330 = arith.constant 0 : i32
      %dma_start3A_331 = tpu.memref_slice %arg3[%squeeze3A_323, %dma_start3A_330] : memref<1000000x64xf32, #tpu.memory_space<hbm>> -> memref<1x64xf32, #tpu.memory_space<hbm>>
      %dma_start3A_332 = arith.constant 0 : i32
      %dma_start3A_333 = tpu.memref_slice %arg7[%add3A_327, %dma_start3A_332] : memref<512x64xf32, #tpu.memory_space<vmem>> -> memref<1x64xf32, #tpu.memory_space<vmem>>
      %dma_start3A_334 = arith.constant 0 : i32
      %dma_start3A_335 = tpu.memref_slice %arg3[%squeeze3A_323, %dma_start3A_334] : memref<1000000x64xf32, #tpu.memory_space<hbm>> -> memref<1x64xf32, #tpu.memory_space<hbm>>
      tpu.enqueue_dma source(%dma_start3A_335 : memref<1x64xf32, #tpu.memory_space<hbm>>) target(%dma_start3A_333 : memref<1x64xf32, #tpu.memory_space<vmem>>) target_semaphore(%arg14 : memref<!tpu.dma_semaphore, #tpu.memory_space<semaphore_mem>>)
      %slice3A_336 = vector.extract_strided_slice %get3A_141 {offsets = [14], sizes = [1], strides = [1]} : vector<16xi32> to vector<1xi32>
      %squeeze3A_337 = vector.extract %slice3A_336[0] : i32 from vector<1xi32>
      %mul3A_338 = arith.constant 16 : i32
      %mul3A_339 = arith.muli %scan3A_137, %mul3A_338 : i32
      %add3A_340 = arith.constant 14 : i32
      %add3A_341 = arith.addi %mul3A_339, %add3A_340 : i32
      %dma_start3A_342 = arith.constant 0 : i32
      %dma_start3A_343 = tpu.memref_slice %arg7[%add3A_341, %dma_start3A_342] : memref<512x64xf32, #tpu.memory_space<vmem>> -> memref<1x64xf32, #tpu.memory_space<vmem>>
      %dma_start3A_344 = arith.constant 0 : i32
      %dma_start3A_345 = tpu.memref_slice %arg3[%squeeze3A_337, %dma_start3A_344] : memref<1000000x64xf32, #tpu.memory_space<hbm>> -> memref<1x64xf32, #tpu.memory_space<hbm>>
      %dma_start3A_346 = arith.constant 0 : i32
      %dma_start3A_347 = tpu.memref_slice %arg7[%add3A_341, %dma_start3A_346] : memref<512x64xf32, #tpu.memory_space<vmem>> -> memref<1x64xf32, #tpu.memory_space<vmem>>
      %dma_start3A_348 = arith.constant 0 : i32
      %dma_start3A_349 = tpu.memref_slice %arg3[%squeeze3A_337, %dma_start3A_348] : memref<1000000x64xf32, #tpu.memory_space<hbm>> -> memref<1x64xf32, #tpu.memory_space<hbm>>
      tpu.enqueue_dma source(%dma_start3A_349 : memref<1x64xf32, #tpu.memory_space<hbm>>) target(%dma_start3A_347 : memref<1x64xf32, #tpu.memory_space<vmem>>) target_semaphore(%arg15 : memref<!tpu.dma_semaphore, #tpu.memory_space<semaphore_mem>>)
      %slice3A_350 = vector.extract_strided_slice %get3A_141 {offsets = [15], sizes = [1], strides = [1]} : vector<16xi32> to vector<1xi32>
      %squeeze3A_351 = vector.extract %slice3A_350[0] : i32 from vector<1xi32>
      %mul3A_352 = arith.constant 16 : i32
      %mul3A_353 = arith.muli %scan3A_137, %mul3A_352 : i32
      %add3A_354 = arith.constant 15 : i32
      %add3A_355 = arith.addi %mul3A_353, %add3A_354 : i32
      %dma_start3A_356 = arith.constant 0 : i32
      %dma_start3A_357 = tpu.memref_slice %arg7[%add3A_355, %dma_start3A_356] : memref<512x64xf32, #tpu.memory_space<vmem>> -> memref<1x64xf32, #tpu.memory_space<vmem>>
      %dma_start3A_358 = arith.constant 0 : i32
      %dma_start3A_359 = tpu.memref_slice %arg3[%squeeze3A_351, %dma_start3A_358] : memref<1000000x64xf32, #tpu.memory_space<hbm>> -> memref<1x64xf32, #tpu.memory_space<hbm>>
      %dma_start3A_360 = arith.constant 0 : i32
      %dma_start3A_361 = tpu.memref_slice %arg7[%add3A_355, %dma_start3A_360] : memref<512x64xf32, #tpu.memory_space<vmem>> -> memref<1x64xf32, #tpu.memory_space<vmem>>
      %dma_start3A_362 = arith.constant 0 : i32
      %dma_start3A_363 = tpu.memref_slice %arg3[%squeeze3A_351, %dma_start3A_362] : memref<1000000x64xf32, #tpu.memory_space<hbm>> -> memref<1x64xf32, #tpu.memory_space<hbm>>
      tpu.enqueue_dma source(%dma_start3A_363 : memref<1x64xf32, #tpu.memory_space<hbm>>) target(%dma_start3A_361 : memref<1x64xf32, #tpu.memory_space<vmem>>) target_semaphore(%arg16 : memref<!tpu.dma_semaphore, #tpu.memory_space<semaphore_mem>>)
    }
    %scan3A_11 = arith.constant 32 : i32
    %dma_wait3A = arith.constant 0 : i32
    %dma_wait3A_12 = arith.constant 0 : i32
    %dma_wait3A_13 = tpu.memref_slice %arg7[%dma_wait3A, %dma_wait3A_12] : memref<512x64xf32, #tpu.memory_space<vmem>> -> memref<64x64xf32, #tpu.memory_space<vmem>>
    %dma_wait3A_14 = arith.constant 0 : i32
    %dma_wait3A_15 = arith.constant 0 : i32
    %dma_wait3A_16 = tpu.memref_slice %arg3[%dma_wait3A_14, %dma_wait3A_15] : memref<1000000x64xf32, #tpu.memory_space<hbm>> -> memref<64x64xf32, #tpu.memory_space<hbm>>
    %dma_wait3A_17 = arith.constant 0 : i32
    %dma_wait3A_18 = arith.constant 0 : i32
    %dma_wait3A_19 = tpu.memref_slice %arg7[%dma_wait3A_17, %dma_wait3A_18] : memref<512x64xf32, #tpu.memory_space<vmem>> -> memref<64x64xf32, #tpu.memory_space<vmem>>
    %dma_wait3A_20 = arith.constant 0 : i32
    %dma_wait3A_21 = arith.constant 0 : i32
    %dma_wait3A_22 = tpu.memref_slice %arg3[%dma_wait3A_20, %dma_wait3A_21] : memref<1000000x64xf32, #tpu.memory_space<hbm>> -> memref<64x64xf32, #tpu.memory_space<hbm>>
    tpu.wait_dma2 semaphore(%arg9 : memref<!tpu.dma_semaphore, #tpu.memory_space<semaphore_mem>>) src(%dma_wait3A_22 : memref<64x64xf32, #tpu.memory_space<hbm>>) dst(%dma_wait3A_19 : memref<64x64xf32, #tpu.memory_space<vmem>>)
    %dma_wait3A_23 = arith.constant 64 : i32
    %dma_wait3A_24 = arith.constant 0 : i32
    %dma_wait3A_25 = tpu.memref_slice %arg7[%dma_wait3A_23, %dma_wait3A_24] : memref<512x64xf32, #tpu.memory_space<vmem>> -> memref<64x64xf32, #tpu.memory_space<vmem>>
    %dma_wait3A_26 = arith.constant 0 : i32
    %dma_wait3A_27 = arith.constant 0 : i32
    %dma_wait3A_28 = tpu.memref_slice %arg3[%dma_wait3A_26, %dma_wait3A_27] : memref<1000000x64xf32, #tpu.memory_space<hbm>> -> memref<64x64xf32, #tpu.memory_space<hbm>>
    %dma_wait3A_29 = arith.constant 64 : i32
    %dma_wait3A_30 = arith.constant 0 : i32
    %dma_wait3A_31 = tpu.memref_slice %arg7[%dma_wait3A_29, %dma_wait3A_30] : memref<512x64xf32, #tpu.memory_space<vmem>> -> memref<64x64xf32, #tpu.memory_space<vmem>>
    %dma_wait3A_32 = arith.constant 0 : i32
    %dma_wait3A_33 = arith.constant 0 : i32
    %dma_wait3A_34 = tpu.memref_slice %arg3[%dma_wait3A_32, %dma_wait3A_33] : memref<1000000x64xf32, #tpu.memory_space<hbm>> -> memref<64x64xf32, #tpu.memory_space<hbm>>
    tpu.wait_dma2 semaphore(%arg10 : memref<!tpu.dma_semaphore, #tpu.memory_space<semaphore_mem>>) src(%dma_wait3A_34 : memref<64x64xf32, #tpu.memory_space<hbm>>) dst(%dma_wait3A_31 : memref<64x64xf32, #tpu.memory_space<vmem>>)
    %dma_wait3A_35 = arith.constant 128 : i32
    %dma_wait3A_36 = arith.constant 0 : i32
    %dma_wait3A_37 = tpu.memref_slice %arg7[%dma_wait3A_35, %dma_wait3A_36] : memref<512x64xf32, #tpu.memory_space<vmem>> -> memref<64x64xf32, #tpu.memory_space<vmem>>
    %dma_wait3A_38 = arith.constant 0 : i32
    %dma_wait3A_39 = arith.constant 0 : i32
    %dma_wait3A_40 = tpu.memref_slice %arg3[%dma_wait3A_38, %dma_wait3A_39] : memref<1000000x64xf32, #tpu.memory_space<hbm>> -> memref<64x64xf32, #tpu.memory_space<hbm>>
    %dma_wait3A_41 = arith.constant 128 : i32
    %dma_wait3A_42 = arith.constant 0 : i32
    %dma_wait3A_43 = tpu.memref_slice %arg7[%dma_wait3A_41, %dma_wait3A_42] : memref<512x64xf32, #tpu.memory_space<vmem>> -> memref<64x64xf32, #tpu.memory_space<vmem>>
    %dma_wait3A_44 = arith.constant 0 : i32
    %dma_wait3A_45 = arith.constant 0 : i32
    %dma_wait3A_46 = tpu.memref_slice %arg3[%dma_wait3A_44, %dma_wait3A_45] : memref<1000000x64xf32, #tpu.memory_space<hbm>> -> memref<64x64xf32, #tpu.memory_space<hbm>>
    tpu.wait_dma2 semaphore(%arg11 : memref<!tpu.dma_semaphore, #tpu.memory_space<semaphore_mem>>) src(%dma_wait3A_46 : memref<64x64xf32, #tpu.memory_space<hbm>>) dst(%dma_wait3A_43 : memref<64x64xf32, #tpu.memory_space<vmem>>)
    %dma_wait3A_47 = arith.constant 192 : i32
    %dma_wait3A_48 = arith.constant 0 : i32
    %dma_wait3A_49 = tpu.memref_slice %arg7[%dma_wait3A_47, %dma_wait3A_48] : memref<512x64xf32, #tpu.memory_space<vmem>> -> memref<64x64xf32, #tpu.memory_space<vmem>>
    %dma_wait3A_50 = arith.constant 0 : i32
    %dma_wait3A_51 = arith.constant 0 : i32
    %dma_wait3A_52 = tpu.memref_slice %arg3[%dma_wait3A_50, %dma_wait3A_51] : memref<1000000x64xf32, #tpu.memory_space<hbm>> -> memref<64x64xf32, #tpu.memory_space<hbm>>
    %dma_wait3A_53 = arith.constant 192 : i32
    %dma_wait3A_54 = arith.constant 0 : i32
    %dma_wait3A_55 = tpu.memref_slice %arg7[%dma_wait3A_53, %dma_wait3A_54] : memref<512x64xf32, #tpu.memory_space<vmem>> -> memref<64x64xf32, #tpu.memory_space<vmem>>
    %dma_wait3A_56 = arith.constant 0 : i32
    %dma_wait3A_57 = arith.constant 0 : i32
    %dma_wait3A_58 = tpu.memref_slice %arg3[%dma_wait3A_56, %dma_wait3A_57] : memref<1000000x64xf32, #tpu.memory_space<hbm>> -> memref<64x64xf32, #tpu.memory_space<hbm>>
    tpu.wait_dma2 semaphore(%arg12 : memref<!tpu.dma_semaphore, #tpu.memory_space<semaphore_mem>>) src(%dma_wait3A_58 : memref<64x64xf32, #tpu.memory_space<hbm>>) dst(%dma_wait3A_55 : memref<64x64xf32, #tpu.memory_space<vmem>>)
    %dma_wait3A_59 = arith.constant 256 : i32
    %dma_wait3A_60 = arith.constant 0 : i32
    %dma_wait3A_61 = tpu.memref_slice %arg7[%dma_wait3A_59, %dma_wait3A_60] : memref<512x64xf32, #tpu.memory_space<vmem>> -> memref<64x64xf32, #tpu.memory_space<vmem>>
    %dma_wait3A_62 = arith.constant 0 : i32
    %dma_wait3A_63 = arith.constant 0 : i32
    %dma_wait3A_64 = tpu.memref_slice %arg3[%dma_wait3A_62, %dma_wait3A_63] : memref<1000000x64xf32, #tpu.memory_space<hbm>> -> memref<64x64xf32, #tpu.memory_space<hbm>>
    %dma_wait3A_65 = arith.constant 256 : i32
    %dma_wait3A_66 = arith.constant 0 : i32
    %dma_wait3A_67 = tpu.memref_slice %arg7[%dma_wait3A_65, %dma_wait3A_66] : memref<512x64xf32, #tpu.memory_space<vmem>> -> memref<64x64xf32, #tpu.memory_space<vmem>>
    %dma_wait3A_68 = arith.constant 0 : i32
    %dma_wait3A_69 = arith.constant 0 : i32
    %dma_wait3A_70 = tpu.memref_slice %arg3[%dma_wait3A_68, %dma_wait3A_69] : memref<1000000x64xf32, #tpu.memory_space<hbm>> -> memref<64x64xf32, #tpu.memory_space<hbm>>
    tpu.wait_dma2 semaphore(%arg13 : memref<!tpu.dma_semaphore, #tpu.memory_space<semaphore_mem>>) src(%dma_wait3A_70 : memref<64x64xf32, #tpu.memory_space<hbm>>) dst(%dma_wait3A_67 : memref<64x64xf32, #tpu.memory_space<vmem>>)
    %dma_wait3A_71 = arith.constant 320 : i32
    %dma_wait3A_72 = arith.constant 0 : i32
    %dma_wait3A_73 = tpu.memref_slice %arg7[%dma_wait3A_71, %dma_wait3A_72] : memref<512x64xf32, #tpu.memory_space<vmem>> -> memref<64x64xf32, #tpu.memory_space<vmem>>
    %dma_wait3A_74 = arith.constant 0 : i32
    %dma_wait3A_75 = arith.constant 0 : i32
    %dma_wait3A_76 = tpu.memref_slice %arg3[%dma_wait3A_74, %dma_wait3A_75] : memref<1000000x64xf32, #tpu.memory_space<hbm>> -> memref<64x64xf32, #tpu.memory_space<hbm>>
    %dma_wait3A_77 = arith.constant 320 : i32
    %dma_wait3A_78 = arith.constant 0 : i32
    %dma_wait3A_79 = tpu.memref_slice %arg7[%dma_wait3A_77, %dma_wait3A_78] : memref<512x64xf32, #tpu.memory_space<vmem>> -> memref<64x64xf32, #tpu.memory_space<vmem>>
    %dma_wait3A_80 = arith.constant 0 : i32
    %dma_wait3A_81 = arith.constant 0 : i32
    %dma_wait3A_82 = tpu.memref_slice %arg3[%dma_wait3A_80, %dma_wait3A_81] : memref<1000000x64xf32, #tpu.memory_space<hbm>> -> memref<64x64xf32, #tpu.memory_space<hbm>>
    tpu.wait_dma2 semaphore(%arg14 : memref<!tpu.dma_semaphore, #tpu.memory_space<semaphore_mem>>) src(%dma_wait3A_82 : memref<64x64xf32, #tpu.memory_space<hbm>>) dst(%dma_wait3A_79 : memref<64x64xf32, #tpu.memory_space<vmem>>)
    %dma_wait3A_83 = arith.constant 384 : i32
    %dma_wait3A_84 = arith.constant 0 : i32
    %dma_wait3A_85 = tpu.memref_slice %arg7[%dma_wait3A_83, %dma_wait3A_84] : memref<512x64xf32, #tpu.memory_space<vmem>> -> memref<64x64xf32, #tpu.memory_space<vmem>>
    %dma_wait3A_86 = arith.constant 0 : i32
    %dma_wait3A_87 = arith.constant 0 : i32
    %dma_wait3A_88 = tpu.memref_slice %arg3[%dma_wait3A_86, %dma_wait3A_87] : memref<1000000x64xf32, #tpu.memory_space<hbm>> -> memref<64x64xf32, #tpu.memory_space<hbm>>
    %dma_wait3A_89 = arith.constant 384 : i32
    %dma_wait3A_90 = arith.constant 0 : i32
    %dma_wait3A_91 = tpu.memref_slice %arg7[%dma_wait3A_89, %dma_wait3A_90] : memref<512x64xf32, #tpu.memory_space<vmem>> -> memref<64x64xf32, #tpu.memory_space<vmem>>
    %dma_wait3A_92 = arith.constant 0 : i32
    %dma_wait3A_93 = arith.constant 0 : i32
    %dma_wait3A_94 = tpu.memref_slice %arg3[%dma_wait3A_92, %dma_wait3A_93] : memref<1000000x64xf32, #tpu.memory_space<hbm>> -> memref<64x64xf32, #tpu.memory_space<hbm>>
    tpu.wait_dma2 semaphore(%arg15 : memref<!tpu.dma_semaphore, #tpu.memory_space<semaphore_mem>>) src(%dma_wait3A_94 : memref<64x64xf32, #tpu.memory_space<hbm>>) dst(%dma_wait3A_91 : memref<64x64xf32, #tpu.memory_space<vmem>>)
    %dma_wait3A_95 = arith.constant 448 : i32
    %dma_wait3A_96 = arith.constant 0 : i32
    %dma_wait3A_97 = tpu.memref_slice %arg7[%dma_wait3A_95, %dma_wait3A_96] : memref<512x64xf32, #tpu.memory_space<vmem>> -> memref<64x64xf32, #tpu.memory_space<vmem>>
    %dma_wait3A_98 = arith.constant 0 : i32
    %dma_wait3A_99 = arith.constant 0 : i32
    %dma_wait3A_100 = tpu.memref_slice %arg3[%dma_wait3A_98, %dma_wait3A_99] : memref<1000000x64xf32, #tpu.memory_space<hbm>> -> memref<64x64xf32, #tpu.memory_space<hbm>>
    %dma_wait3A_101 = arith.constant 448 : i32
    %dma_wait3A_102 = arith.constant 0 : i32
    %dma_wait3A_103 = tpu.memref_slice %arg7[%dma_wait3A_101, %dma_wait3A_102] : memref<512x64xf32, #tpu.memory_space<vmem>> -> memref<64x64xf32, #tpu.memory_space<vmem>>
    %dma_wait3A_104 = arith.constant 0 : i32
    %dma_wait3A_105 = arith.constant 0 : i32
    %dma_wait3A_106 = tpu.memref_slice %arg3[%dma_wait3A_104, %dma_wait3A_105] : memref<1000000x64xf32, #tpu.memory_space<hbm>> -> memref<64x64xf32, #tpu.memory_space<hbm>>
    tpu.wait_dma2 semaphore(%arg16 : memref<!tpu.dma_semaphore, #tpu.memory_space<semaphore_mem>>) src(%dma_wait3A_106 : memref<64x64xf32, #tpu.memory_space<hbm>>) dst(%dma_wait3A_103 : memref<64x64xf32, #tpu.memory_space<vmem>>)
    %add3A_107 = arith.constant 0 : i32
    %add3A_108 = arith.addi %rem3A_3, %add3A_107 : i32
    %dma_wait3A_109 = arith.constant 0 : i32
    %dma_wait3A_110 = tpu.memref_slice %arg4[%add3A_108, %dma_wait3A_109] : memref<4096x64xf32, #tpu.memory_space<hbm>> -> memref<256x64xf32, #tpu.memory_space<hbm>>
    %dma_wait3A_111 = arith.constant 0 : i32
    %dma_wait3A_112 = tpu.memref_slice %arg4[%add3A_108, %dma_wait3A_111] : memref<4096x64xf32, #tpu.memory_space<hbm>> -> memref<256x64xf32, #tpu.memory_space<hbm>>
    tpu.wait_dma2 semaphore(%arg17 : memref<!tpu.dma_semaphore, #tpu.memory_space<semaphore_mem>>) src(%dma_wait3A_112 : memref<256x64xf32, #tpu.memory_space<hbm>>) dst(%arg8 : memref<256x64xf32, #tpu.memory_space<vmem>>)
    %scan3A_113 = arith.constant 0 : i32
    %scan3A_114 = arith.constant 0 : i32
    %scan3A_115 = arith.constant 256 : i32
    %scan3A_116 = arith.addi %scan3A_114, %scan3A_115 : i32
    %scan3A_117 = arith.constant 1 : i32
    scf.for %scan3A_137 = %scan3A_114 to %scan3A_116 step %scan3A_117  : i32 {
      %add3A_138 = arith.constant 0 : i32
      %add3A_139 = arith.addi %add3A_138, %scan3A_137 : i32
      %get3A = arith.index_cast %add3A_139 : i32 to index
      %get3A_140 = arith.constant 0 : index
      %get3A_141 = tpu.vector_load %arg7[%get3A, %get3A_140] {strides = array<i32>} : memref<512x64xf32, #tpu.memory_space<vmem>>, vector<1x16xf32>,
      %get3A_142 = vector.shape_cast %get3A_141 : vector<1x16xf32> to vector<16xf32>
      %get3A_143 = arith.index_cast %scan3A_137 : i32 to index
      %get3A_144 = arith.constant 0 : index
      %get3A_145 = tpu.vector_load %arg8[%get3A_143, %get3A_144] {strides = array<i32>} : memref<256x64xf32, #tpu.memory_space<vmem>>, vector<1x16xf32>,
      %get3A_146 = vector.shape_cast %get3A_145 : vector<1x16xf32> to vector<16xf32>
      %add3A_147 = arith.addf %get3A_142, %get3A_146 : vector<16xf32>
      %add3A_148 = arith.constant 0 : i32
      %add3A_149 = arith.addi %add3A_148, %scan3A_137 : i32
      %swap3A = arith.index_cast %add3A_149 : i32 to index
      %swap3A_150 = arith.constant 0 : index
      %swap3A_151 = tpu.vector_load %arg7[%swap3A, %swap3A_150] {strides = array<i32>} : memref<512x64xf32, #tpu.memory_space<vmem>>, vector<1x16xf32>,
      %swap3A_152 = vector.shape_cast %swap3A_151 : vector<1x16xf32> to vector<16xf32>
      %swap3A_153 = vector.shape_cast %add3A_147 : vector<16xf32> to vector<1x16xf32>
      tpu.vector_store %arg7[%swap3A, %swap3A_150], %swap3A_153 {strides = array<i32>} : memref<512x64xf32, #tpu.memory_space<vmem>>, vector<1x16xf32>,
      %add3A_154 = arith.constant 0 : i32
      %add3A_155 = arith.addi %add3A_154, %scan3A_137 : i32
      %get3A_156 = arith.index_cast %add3A_155 : i32 to index
      %get3A_157 = arith.constant 16 : index
      %get3A_158 = tpu.vector_load %arg7[%get3A_156, %get3A_157] {strides = array<i32>} : memref<512x64xf32, #tpu.memory_space<vmem>>, vector<1x16xf32>,
      %get3A_159 = vector.shape_cast %get3A_158 : vector<1x16xf32> to vector<16xf32>
      %get3A_160 = arith.index_cast %scan3A_137 : i32 to index
      %get3A_161 = arith.constant 16 : index
      %get3A_162 = tpu.vector_load %arg8[%get3A_160, %get3A_161] {strides = array<i32>} : memref<256x64xf32, #tpu.memory_space<vmem>>, vector<1x16xf32>,
      %get3A_163 = vector.shape_cast %get3A_162 : vector<1x16xf32> to vector<16xf32>
      %add3A_164 = arith.addf %get3A_159, %get3A_163 : vector<16xf32>
      %add3A_165 = arith.constant 0 : i32
      %add3A_166 = arith.addi %add3A_165, %scan3A_137 : i32
      %swap3A_167 = arith.index_cast %add3A_166 : i32 to index
      %swap3A_168 = arith.constant 16 : index
      %swap3A_169 = tpu.vector_load %arg7[%swap3A_167, %swap3A_168] {strides = array<i32>} : memref<512x64xf32, #tpu.memory_space<vmem>>, vector<1x16xf32>,
      %swap3A_170 = vector.shape_cast %swap3A_169 : vector<1x16xf32> to vector<16xf32>
      %swap3A_171 = vector.shape_cast %add3A_164 : vector<16xf32> to vector<1x16xf32>
      tpu.vector_store %arg7[%swap3A_167, %swap3A_168], %swap3A_171 {strides = array<i32>} : memref<512x64xf32, #tpu.memory_space<vmem>>, vector<1x16xf32>,
      %add3A_172 = arith.constant 0 : i32
      %add3A_173 = arith.addi %add3A_172, %scan3A_137 : i32
      %get3A_174 = arith.index_cast %add3A_173 : i32 to index
      %get3A_175 = arith.constant 32 : index
      %get3A_176 = tpu.vector_load %arg7[%get3A_174, %get3A_175] {strides = array<i32>} : memref<512x64xf32, #tpu.memory_space<vmem>>, vector<1x16xf32>,
      %get3A_177 = vector.shape_cast %get3A_176 : vector<1x16xf32> to vector<16xf32>
      %get3A_178 = arith.index_cast %scan3A_137 : i32 to index
      %get3A_179 = arith.constant 32 : index
      %get3A_180 = tpu.vector_load %arg8[%get3A_178, %get3A_179] {strides = array<i32>} : memref<256x64xf32, #tpu.memory_space<vmem>>, vector<1x16xf32>,
      %get3A_181 = vector.shape_cast %get3A_180 : vector<1x16xf32> to vector<16xf32>
      %add3A_182 = arith.addf %get3A_177, %get3A_181 : vector<16xf32>
      %add3A_183 = arith.constant 0 : i32
      %add3A_184 = arith.addi %add3A_183, %scan3A_137 : i32
      %swap3A_185 = arith.index_cast %add3A_184 : i32 to index
      %swap3A_186 = arith.constant 32 : index
      %swap3A_187 = tpu.vector_load %arg7[%swap3A_185, %swap3A_186] {strides = array<i32>} : memref<512x64xf32, #tpu.memory_space<vmem>>, vector<1x16xf32>,
      %swap3A_188 = vector.shape_cast %swap3A_187 : vector<1x16xf32> to vector<16xf32>
      %swap3A_189 = vector.shape_cast %add3A_182 : vector<16xf32> to vector<1x16xf32>
      tpu.vector_store %arg7[%swap3A_185, %swap3A_186], %swap3A_189 {strides = array<i32>} : memref<512x64xf32, #tpu.memory_space<vmem>>, vector<1x16xf32>,
      %add3A_190 = arith.constant 0 : i32
      %add3A_191 = arith.addi %add3A_190, %scan3A_137 : i32
      %get3A_192 = arith.index_cast %add3A_191 : i32 to index
      %get3A_193 = arith.constant 48 : index
      %get3A_194 = tpu.vector_load %arg7[%get3A_192, %get3A_193] {strides = array<i32>} : memref<512x64xf32, #tpu.memory_space<vmem>>, vector<1x16xf32>,
      %get3A_195 = vector.shape_cast %get3A_194 : vector<1x16xf32> to vector<16xf32>
      %get3A_196 = arith.index_cast %scan3A_137 : i32 to index
      %get3A_197 = arith.constant 48 : index
      %get3A_198 = tpu.vector_load %arg8[%get3A_196, %get3A_197] {strides = array<i32>} : memref<256x64xf32, #tpu.memory_space<vmem>>, vector<1x16xf32>,
      %get3A_199 = vector.shape_cast %get3A_198 : vector<1x16xf32> to vector<16xf32>
      %add3A_200 = arith.addf %get3A_195, %get3A_199 : vector<16xf32>
      %add3A_201 = arith.constant 0 : i32
      %add3A_202 = arith.addi %add3A_201, %scan3A_137 : i32
      %swap3A_203 = arith.index_cast %add3A_202 : i32 to index
      %swap3A_204 = arith.constant 48 : index
      %swap3A_205 = tpu.vector_load %arg7[%swap3A_203, %swap3A_204] {strides = array<i32>} : memref<512x64xf32, #tpu.memory_space<vmem>>, vector<1x16xf32>,
      %swap3A_206 = vector.shape_cast %swap3A_205 : vector<1x16xf32> to vector<16xf32>
      %swap3A_207 = vector.shape_cast %add3A_200 : vector<16xf32> to vector<1x16xf32>
      tpu.vector_store %arg7[%swap3A_203, %swap3A_204], %swap3A_207 {strides = array<i32>} : memref<512x64xf32, #tpu.memory_space<vmem>>, vector<1x16xf32>,
    }
    %scan3A_118 = arith.constant 256 : i32
    %add3A_119 = arith.constant 256 : i32
    %add3A_120 = arith.addi %rem3A_3, %add3A_119 : i32
    %dma_start3A_121 = arith.constant 0 : i32
    %dma_start3A_122 = tpu.memref_slice %arg4[%add3A_120, %dma_start3A_121] : memref<4096x64xf32, #tpu.memory_space<hbm>> -> memref<256x64xf32, #tpu.memory_space<hbm>>
    %dma_start3A_123 = arith.constant 0 : i32
    %dma_start3A_124 = tpu.memref_slice %arg4[%add3A_120, %dma_start3A_123] : memref<4096x64xf32, #tpu.memory_space<hbm>> -> memref<256x64xf32, #tpu.memory_space<hbm>>
    tpu.enqueue_dma source(%dma_start3A_124 : memref<256x64xf32, #tpu.memory_space<hbm>>) target(%arg8 : memref<256x64xf32, #tpu.memory_space<vmem>>) target_semaphore(%arg17 : memref<!tpu.dma_semaphore, #tpu.memory_space<semaphore_mem>>)
    %add3A_125 = arith.constant 256 : i32
    %add3A_126 = arith.addi %rem3A_3, %add3A_125 : i32
    %dma_wait3A_127 = arith.constant 0 : i32
    %dma_wait3A_128 = tpu.memref_slice %arg4[%add3A_126, %dma_wait3A_127] : memref<4096x64xf32, #tpu.memory_space<hbm>> -> memref<256x64xf32, #tpu.memory_space<hbm>>
    %dma_wait3A_129 = arith.constant 0 : i32
    %dma_wait3A_130 = tpu.memref_slice %arg4[%add3A_126, %dma_wait3A_129] : memref<4096x64xf32, #tpu.memory_space<hbm>> -> memref<256x64xf32, #tpu.memory_space<hbm>>
    tpu.wait_dma2 semaphore(%arg17 : memref<!tpu.dma_semaphore, #tpu.memory_space<semaphore_mem>>) src(%dma_wait3A_130 : memref<256x64xf32, #tpu.memory_space<hbm>>) dst(%arg8 : memref<256x64xf32, #tpu.memory_space<vmem>>)
    %scan3A_131 = arith.constant 0 : i32
    %scan3A_132 = arith.constant 0 : i32
    %scan3A_133 = arith.constant 256 : i32
    %scan3A_134 = arith.addi %scan3A_132, %scan3A_133 : i32
    %scan3A_135 = arith.constant 1 : i32
    scf.for %scan3A_137 = %scan3A_132 to %scan3A_134 step %scan3A_135  : i32 {
      %add3A_138 = arith.constant 256 : i32
      %add3A_139 = arith.addi %add3A_138, %scan3A_137 : i32
      %get3A = arith.index_cast %add3A_139 : i32 to index
      %get3A_140 = arith.constant 0 : index
      %get3A_141 = tpu.vector_load %arg7[%get3A, %get3A_140] {strides = array<i32>} : memref<512x64xf32, #tpu.memory_space<vmem>>, vector<1x16xf32>,
      %get3A_142 = vector.shape_cast %get3A_141 : vector<1x16xf32> to vector<16xf32>
      %get3A_143 = arith.index_cast %scan3A_137 : i32 to index
      %get3A_144 = arith.constant 0 : index
      %get3A_145 = tpu.vector_load %arg8[%get3A_143, %get3A_144] {strides = array<i32>} : memref<256x64xf32, #tpu.memory_space<vmem>>, vector<1x16xf32>,
      %get3A_146 = vector.shape_cast %get3A_145 : vector<1x16xf32> to vector<16xf32>
      %add3A_147 = arith.addf %get3A_142, %get3A_146 : vector<16xf32>
      %add3A_148 = arith.constant 256 : i32
      %add3A_149 = arith.addi %add3A_148, %scan3A_137 : i32
      %swap3A = arith.index_cast %add3A_149 : i32 to index
      %swap3A_150 = arith.constant 0 : index
      %swap3A_151 = tpu.vector_load %arg7[%swap3A, %swap3A_150] {strides = array<i32>} : memref<512x64xf32, #tpu.memory_space<vmem>>, vector<1x16xf32>,
      %swap3A_152 = vector.shape_cast %swap3A_151 : vector<1x16xf32> to vector<16xf32>
      %swap3A_153 = vector.shape_cast %add3A_147 : vector<16xf32> to vector<1x16xf32>
      tpu.vector_store %arg7[%swap3A, %swap3A_150], %swap3A_153 {strides = array<i32>} : memref<512x64xf32, #tpu.memory_space<vmem>>, vector<1x16xf32>,
      %add3A_154 = arith.constant 256 : i32
      %add3A_155 = arith.addi %add3A_154, %scan3A_137 : i32
      %get3A_156 = arith.index_cast %add3A_155 : i32 to index
      %get3A_157 = arith.constant 16 : index
      %get3A_158 = tpu.vector_load %arg7[%get3A_156, %get3A_157] {strides = array<i32>} : memref<512x64xf32, #tpu.memory_space<vmem>>, vector<1x16xf32>,
      %get3A_159 = vector.shape_cast %get3A_158 : vector<1x16xf32> to vector<16xf32>
      %get3A_160 = arith.index_cast %scan3A_137 : i32 to index
      %get3A_161 = arith.constant 16 : index
      %get3A_162 = tpu.vector_load %arg8[%get3A_160, %get3A_161] {strides = array<i32>} : memref<256x64xf32, #tpu.memory_space<vmem>>, vector<1x16xf32>,
      %get3A_163 = vector.shape_cast %get3A_162 : vector<1x16xf32> to vector<16xf32>
      %add3A_164 = arith.addf %get3A_159, %get3A_163 : vector<16xf32>
      %add3A_165 = arith.constant 256 : i32
      %add3A_166 = arith.addi %add3A_165, %scan3A_137 : i32
      %swap3A_167 = arith.index_cast %add3A_166 : i32 to index
      %swap3A_168 = arith.constant 16 : index
      %swap3A_169 = tpu.vector_load %arg7[%swap3A_167, %swap3A_168] {strides = array<i32>} : memref<512x64xf32, #tpu.memory_space<vmem>>, vector<1x16xf32>,
      %swap3A_170 = vector.shape_cast %swap3A_169 : vector<1x16xf32> to vector<16xf32>
      %swap3A_171 = vector.shape_cast %add3A_164 : vector<16xf32> to vector<1x16xf32>
      tpu.vector_store %arg7[%swap3A_167, %swap3A_168], %swap3A_171 {strides = array<i32>} : memref<512x64xf32, #tpu.memory_space<vmem>>, vector<1x16xf32>,
      %add3A_172 = arith.constant 256 : i32
      %add3A_173 = arith.addi %add3A_172, %scan3A_137 : i32
      %get3A_174 = arith.index_cast %add3A_173 : i32 to index
      %get3A_175 = arith.constant 32 : index
      %get3A_176 = tpu.vector_load %arg7[%get3A_174, %get3A_175] {strides = array<i32>} : memref<512x64xf32, #tpu.memory_space<vmem>>, vector<1x16xf32>,
      %get3A_177 = vector.shape_cast %get3A_176 : vector<1x16xf32> to vector<16xf32>
      %get3A_178 = arith.index_cast %scan3A_137 : i32 to index
      %get3A_179 = arith.constant 32 : index
      %get3A_180 = tpu.vector_load %arg8[%get3A_178, %get3A_179] {strides = array<i32>} : memref<256x64xf32, #tpu.memory_space<vmem>>, vector<1x16xf32>,
      %get3A_181 = vector.shape_cast %get3A_180 : vector<1x16xf32> to vector<16xf32>
      %add3A_182 = arith.addf %get3A_177, %get3A_181 : vector<16xf32>
      %add3A_183 = arith.constant 256 : i32
      %add3A_184 = arith.addi %add3A_183, %scan3A_137 : i32
      %swap3A_185 = arith.index_cast %add3A_184 : i32 to index
      %swap3A_186 = arith.constant 32 : index
      %swap3A_187 = tpu.vector_load %arg7[%swap3A_185, %swap3A_186] {strides = array<i32>} : memref<512x64xf32, #tpu.memory_space<vmem>>, vector<1x16xf32>,
      %swap3A_188 = vector.shape_cast %swap3A_187 : vector<1x16xf32> to vector<16xf32>
      %swap3A_189 = vector.shape_cast %add3A_182 : vector<16xf32> to vector<1x16xf32>
      tpu.vector_store %arg7[%swap3A_185, %swap3A_186], %swap3A_189 {strides = array<i32>} : memref<512x64xf32, #tpu.memory_space<vmem>>, vector<1x16xf32>,
      %add3A_190 = arith.constant 256 : i32
      %add3A_191 = arith.addi %add3A_190, %scan3A_137 : i32
      %get3A_192 = arith.index_cast %add3A_191 : i32 to index
      %get3A_193 = arith.constant 48 : index
      %get3A_194 = tpu.vector_load %arg7[%get3A_192, %get3A_193] {strides = array<i32>} : memref<512x64xf32, #tpu.memory_space<vmem>>, vector<1x16xf32>,
      %get3A_195 = vector.shape_cast %get3A_194 : vector<1x16xf32> to vector<16xf32>
      %get3A_196 = arith.index_cast %scan3A_137 : i32 to index
      %get3A_197 = arith.constant 48 : index
      %get3A_198 = tpu.vector_load %arg8[%get3A_196, %get3A_197] {strides = array<i32>} : memref<256x64xf32, #tpu.memory_space<vmem>>, vector<1x16xf32>,
      %get3A_199 = vector.shape_cast %get3A_198 : vector<1x16xf32> to vector<16xf32>
      %add3A_200 = arith.addf %get3A_195, %get3A_199 : vector<16xf32>
      %add3A_201 = arith.constant 256 : i32
      %add3A_202 = arith.addi %add3A_201, %scan3A_137 : i32
      %swap3A_203 = arith.index_cast %add3A_202 : i32 to index
      %swap3A_204 = arith.constant 48 : index
      %swap3A_205 = tpu.vector_load %arg7[%swap3A_203, %swap3A_204] {strides = array<i32>} : memref<512x64xf32, #tpu.memory_space<vmem>>, vector<1x16xf32>,
      %swap3A_206 = vector.shape_cast %swap3A_205 : vector<1x16xf32> to vector<16xf32>
      %swap3A_207 = vector.shape_cast %add3A_200 : vector<16xf32> to vector<1x16xf32>
      tpu.vector_store %arg7[%swap3A_203, %swap3A_204], %swap3A_207 {strides = array<i32>} : memref<512x64xf32, #tpu.memory_space<vmem>>, vector<1x16xf32>,
    }
    %scan3A_136 = arith.constant 256 : i32
    "tpu.region"() ({
      %run_scoped3A = tpu.sem_alloc : memref<!tpu.dma_semaphore, #tpu.memory_space<semaphore_mem>>
      %dma_start3A_137 = arith.constant 0 : i32
      %dma_start3A_138 = tpu.memref_slice %arg5[%mul3A_2, %dma_start3A_137] : memref<16384x64xf32, #tpu.memory_space<hbm>> -> memref<512x64xf32, #tpu.memory_space<hbm>>
      %dma_start3A_139 = arith.constant 0 : i32
      %dma_start3A_140 = tpu.memref_slice %arg5[%mul3A_2, %dma_start3A_139] : memref<16384x64xf32, #tpu.memory_space<hbm>> -> memref<512x64xf32, #tpu.memory_space<hbm>>
      tpu.enqueue_dma source(%arg7 : memref<512x64xf32, #tpu.memory_space<vmem>>) target(%dma_start3A_140 : memref<512x64xf32, #tpu.memory_space<hbm>>) target_semaphore(%run_scoped3A : memref<!tpu.dma_semaphore, #tpu.memory_space<semaphore_mem>>)
      %dma_wait3A_141 = arith.constant 0 : i32
      %dma_wait3A_142 = tpu.memref_slice %arg5[%mul3A_2, %dma_wait3A_141] : memref<16384x64xf32, #tpu.memory_space<hbm>> -> memref<512x64xf32, #tpu.memory_space<hbm>>
      %dma_wait3A_143 = arith.constant 0 : i32
      %dma_wait3A_144 = tpu.memref_slice %arg5[%mul3A_2, %dma_wait3A_143] : memref<16384x64xf32, #tpu.memory_space<hbm>> -> memref<512x64xf32, #tpu.memory_space<hbm>>
      tpu.wait_dma2 semaphore(%run_scoped3A : memref<!tpu.dma_semaphore, #tpu.memory_space<semaphore_mem>>) src(%arg7 : memref<512x64xf32, #tpu.memory_space<vmem>>) dst(%dma_wait3A_144 : memref<512x64xf32, #tpu.memory_space<hbm>>)
      tpu.yield
    }) : () -> ()
    return
  }
}

</mosaic_0001>

<sc_bundles>
// kernel: kernel.3.cloned.1.call-start
scs
__scs_entry_jumppad:
0x0: {  	(pc) =	sbr.rel $0x88, $3  }
0x1: {  	(tag) =	ssettag $0x0;
	lr =	simm.s32 $0x1  }
0x2: {  	[smem:$0x3F9E] =	sst lr;
	_ =	strace $0xD0000000  }
0x3: {  	_ = 	snop  }
0x4: {  	_ = 	snop  }
0x5: {  	_ = 	snop  }
0x6: {  	_ = 	snop  }
0x7: {  	_ = 	snop  }
__scs_overlays_trampoline_lowered:
0x8: {  	[smem:$0x3FAD] =	sst s0  }
0x9: {  	[smem:$0x3FAE] =	sst s1  }
0xa: {  	[smem:$0x3FAF] =	sst s2  }
0xb: {  	[smem:$0x3FB0] =	sst s3  }
0xc: {  	[smem:$0x3FB1] =	sst s4  }
0xd: {  	[smem:$0x3FB2] =	sst s5  }
0xe: {  	[smem:$0x3FB3] =	sst s6  }
0xf: {  	[smem:$0x3FB4] =	sst s7  }
0x10: {  	[smem:$0x3FB5] =	sst s8  }
0x11: {  	[smem:$0x3FB6] =	sst s9;
	s0 =	simm.s32 @!p0 $0x0  }
0x12: {  	s1 =	sld [smem:$0x3F9C];
	s0 =	simm.s32 @p0 $0x1  }
0x13: {  	[smem:$0x3FB7] =	sst s0;
	s0 =	simm.s32 @!p1 $0x0  }
0x14: {  	s2 =	sld [smem:$0x3F9B];
	s0 =	simm.s32 @p1 $0x1  }
0x15: {  	[smem:$0x3FB8] =	sst s0;
	s0 =	simm.s32 @!p2 $0x0  }
0x16: {  	s3 =	sld [smem:$0x3FDB];
	s0 =	simm.s32 @p2 $0x1  }
0x17: {  	s4 =	simm.s32 $0x1BF5;
	[smem:$0x3FBA] =	sst s0  }
0x18: {  	s0 =	sld [smem:$0x3F9D];
	_ =	swait.ge [sflag:s4], $0x0  }
0x19: {  	s7 =	sld [smem:$0x3F9E]  }
0x1a: {  	s8 =	sadd.s32 $0xFFFFE003, lr  }
0x1b: {  	s9 =	sadd.s32 $0xFFFFFEF7, lr;
	s5 =	simm.s32 $0xFFFFFFFF;
	p2 =	slt.u32 s8, $0xFFFFF086  }
0x1c: {  	p1 =	slt.u32 s9, $0xF7A;
	s5 =	simm.s32 @!p2 $0x0  }
0x1d: {  	s5 =	simm.s32 @p1 $0x1;
	p0 =	seq.s32 s7, s2  }
0x1e: {  	s7 =	smul.u32 @!p0 $0xF7A, s2;
	p2 =	seq.s32 @!p0 s5, $0x0  }
0x1f: {  	s9 =	smul.u32 $0xF7A, s1;
	s8 =	simm.s32 @!p0 $0x1BF5;
	p2 =	por !p2, p0  }
0x20: {  	[sflag:s8] =	ssyncset.s32 @!p0 $0xFFFFF086;
	s6 =	sadd.s32 @!p0 s3, s7;
	s7 =	simm.s32 @!p0 $0x108  }
0x21: {  	s3 =	sadd.s32 s3, s9;
	s6 =	sadd.s32 @!p0 $0x88, s6;
	s7 =	simm.s32 @p2 $0x1082  }
0x22: {  	[simem:s7], [sflag:s8] =	dma.local @!p0 [hbm:s6], $0xF7A  }
0x23: {  	s9 =	sor.u32 $0xD0000000, s2;
	s6 =	simm.s32 $0x108;
	_ =	swait.ge @!p0 [sflag:s8], $0x0  }
0x24: {  	s3 =	sadd.s32 $0x88, s3;
	s6 =	simm.s32 @!p1 $0x1082;
	[sflag:s4] =	ssyncset.s32 $0xFFFFF086  }
0x25: {  	[simem:s6], [sflag:s4] =	dma.local [hbm:s3], $0xF7A  }
0x26: {  	[smem:$0x3F9E] =	sst s1;
	(tag) =	ssettag s2;
	_ =	strace s9  }
0x27: {  	s1 =	sld [smem:$0x3FAE]  }
0x28: {  	s2 =	sld [smem:$0x3FAF]  }
0x29: {  	s4 =	sld [smem:$0x3FB1]  }
0x2a: {  	p0 =	seq.s32 s5, $0x0;
	s5 =	sld [smem:$0x3FB2]  }
0x2b: {  	s6 =	sld [smem:$0x3FB3]  }
0x2c: {  	s7 =	sld [smem:$0x3FB4]  }
0x2d: {  	s3 =	simm.s32 $0x108;
	s8 =	sld [smem:$0x3FB5]  }
0x2e: {  	s3 =	simm.s32 @!p0 $0x1082;
	s9 =	sld [smem:$0x3FB6]  }
0x2f: {  	lr =	sadd.s32 s0, s3;
	s0 =	sld [smem:$0x3FAD]  }
0x30: {  	s3 =	sld [smem:$0x3FB0]  }
0x31: {  	[smem:$0x3FB9] =	sst s10  }
0x32: {  	s10 =	sld [smem:$0x3FB7];
	_ =	sdelay $0x3  }
0x33: {  	p0 =	seq.s32 s10, $0x1;
	s10 =	sld [smem:$0x3FB9];
	_ =	sdelay $0x3  }
0x34: {  	[smem:$0x3FB9] =	sst s10  }
0x35: {  	s10 =	sld [smem:$0x3FB8];
	_ =	sdelay $0x3  }
0x36: {  	p1 =	seq.s32 s10, $0x1;
	s10 =	sld [smem:$0x3FB9];
	_ =	sdelay $0x3  }
0x37: {  	[smem:$0x3FB9] =	sst s10  }
0x38: {  	s10 =	sld [smem:$0x3FBA]  }
0x39: {  	_ = 	snop;
	(pc) =	sbr.ind lr, $3  }
0x3a: {  	_ = 	snop  }
0x3b: {  	_ = 	snop  }
0x3c: {  	p2 =	seq.s32 s10, $0x1;
	s10 =	sld [smem:$0x3FB9]  }
0x3d: {  	_ =	shalt  }
0x3e: {  	_ =	shalt  }
0x3f: {  	_ =	shalt  }
0x40: {  	_ =	shalt  }
0x41: {  	_ =	shalt  }
0x42: {  	_ =	shalt  }
0x43: {  	_ =	shalt  }
0x44: {  	_ =	shalt  }
0x45: {  	_ =	shalt  }
0x46: {  	_ =	shalt  }
0x47: {  	_ =	shalt  }
0x48: {  	_ =	shalt  }
0x49: {  	_ =	shalt  }
0x4a: {  	_ =	shalt  }
0x4b: {  	_ =	shalt  }
0x4c: {  	_ =	shalt  }
0x4d: {  	_ =	shalt  }
0x4e: {  	_ =	shalt  }
0x4f: {  	_ =	shalt  }
0x50: {  	_ =	shalt  }
0x51: {  	_ =	shalt  }
0x52: {  	_ =	shalt  }
0x53: {  	_ =	shalt  }
0x54: {  	_ =	shalt  }
0x55: {  	_ =	shalt  }
0x56: {  	_ =	shalt  }
0x57: {  	_ =	shalt  }
0x58: {  	_ =	shalt  }
0x59: {  	_ =	shalt  }
0x5a: {  	_ =	shalt  }
0x5b: {  	_ =	shalt  }
0x5c: {  	_ =	shalt  }
0x5d: {  	_ =	shalt  }
0x5e: {  	_ =	shalt  }
0x5f: {  	_ =	shalt  }
0x60: {  	_ =	shalt  }
0x61: {  	_ =	shalt  }
0x62: {  	_ =	shalt  }
0x63: {  	_ =	shalt  }
0x64: {  	_ =	shalt  }
0x65: {  	_ =	shalt  }
0x66: {  	_ =	shalt  }
0x67: {  	_ =	shalt  }
0x68: {  	_ =	shalt  }
0x69: {  	_ =	shalt  }
0x6a: {  	_ =	shalt  }
0x6b: {  	_ =	shalt  }
0x6c: {  	_ =	shalt  }
0x6d: {  	_ =	shalt  }
0x6e: {  	_ =	shalt  }
0x6f: {  	_ =	shalt  }
0x70: {  	_ =	shalt  }
0x71: {  	_ =	shalt  }
0x72: {  	_ =	shalt  }
0x73: {  	_ =	shalt  }
0x74: {  	_ =	shalt  }
0x75: {  	_ =	shalt  }
0x76: {  	_ =	shalt  }
0x77: {  	_ =	shalt  }
0x78: {  	_ =	shalt  }
0x79: {  	_ =	shalt  }
0x7a: {  	_ =	shalt  }
0x7b: {  	_ =	shalt  }
0x7c: {  	_ =	shalt  }
0x7d: {  	_ =	shalt  }
0x7e: {  	_ =	shalt  }
0x7f: {  	_ =	shalt  }
0x80: {  	_ =	shalt  }
0x81: {  	_ =	shalt  }
0x82: {  	_ =	shalt  }
0x83: {  	_ =	shalt  }
0x84: {  	_ =	shalt  }
0x85: {  	_ =	shalt  }
0x86: {  	_ =	shalt  }
0x87: {  	_ =	shalt  }
.Lfunc_end0:
.L_simem_size_0:
called_computation_lowered:
.L_overlay_start_0:
0x88: {  	s2 =	sld [smem:$0x3FD9]  }
0x89: {  	s3 =	sld [smem:$0x3FFE];
	_ =	sdelay $0x1  }
0x8a: {  	s1 =	srdreg.scid  }
0x8b: {  	s0 =	sand.u32 $0x1, s1  }
0x8c: {  	s17 =	sshll.u32 s0, $0xA;
	s2 =	sadd.s32 s3, s2  }
0x8d: {  	s2 =	sadd.s32 s2, s17  }
0x8e: {  	[smem:$0x3FC5] =	sst s2  }
0x8f: {  	_ = 	snop  }
0x90: {  	s2 =	sld [smem:$0x3FD0];
	(tm) =	ssettm $0x1  }
0x91: {  	s18 =	sld [smem:$0x3FFB];
	_ =	sdelay $0x3  }
0x92: {  	_ =	strace s18  }
0x93: {  	s3 =	sld [smem:$0x3FFC];
	_ =	sdelay $0x3  }
0x94: {  	_ =	strace s3  }
0x95: {  	s3 =	sld [smem:$0x3FFD];
	_ =	sdelay $0x3  }
0x96: {  	_ =	strace s3  }
0x97: {  	_ =	strace $0x8FFFFFFF  }
0x98: {  	s19 =	sld [smem:$0x3FDB];
	_ =	sdelay $0x1  }
0x99: {  	s4 =	simm.s32 $_scs_section_size  }
0x9a: {  	s5 =	simm.s32 $_size__tile_overlayer_lowered;
	s6 =	simm.s32 $_tile_overlayer_lowered  }
0x9b: {  	s22 =	simm.s32 $0x1BFF;
	s21 =	sshll.u32 s6, $0x1;
	s3 =	sadd.s32 s4, s19  }
0x9c: {  	s7 =	simm.s32 $0x0;
	s20 =	sshll.u32 s5, $0x1;
	s5 =	sadd.s32 s21, s3  }
0x9d: {  	[timem:s7], [sflag:s22] =	dma.local [hbm:s5], s20  }
0x9e: {  	_ =	swait.ge [sflag:s22], s20  }
0x9f: {  	s4 =	ssub.s32 $0x0, s20;
	[sflag:s22] =	ssyncset.done $0x0  }
0xa0: {  	[sflag:s22] =	ssyncadd.s32 s4;
	_ =	sdelay $0x1  }
0xa1: {  	s23 =	simm.s32 $0x1B8B  }
0xa2: {  	_ =	swait.ge [sflag:s23], $0x1  }
0xa3: {  	[sflag:s23] =	ssyncset.done $0x0  }
0xa4: {  	s25 =	simm.s32 $0x1B8E;
	s24 =	sld [smem:$0x3FFE];
	[sflag:s23] =	ssyncadd.s32 $0xFFFFFFFF  }
0xa5: {  	s26 =	simm.s32 $execute0_lowered;
	[smem:$0x3FD2] =	sst s25  }
0xa6: {  	s5 =	sshll.u32 s26, $0x1;
	_ =	strace $0x80000046;
	[dreg:$0x1] =	wrdreg $0xFFFFFFFF  }
0xa7: {  	s28 =	simm.s32 $_size_execute0_lowered;
	s3 =	sadd.s32 s3, s5;
	[dreg:$0x0] =	wrdreg $0x0  }
0xa8: {  	s5 =	sshll.u32 s28, $0x1;
	[dreg:$0x2] =	wrdreg s3  }
0xa9: {  	[dreg:$0x3] =	wrdreg s5  }
0xaa: {  	[dreg:$0x4] =	wrdreg $0xC0  }
0xab: {  	_ =	task [dreg:s7], $0x5FFFF  }
0xac: {  	[dreg:$0x1] =	wrdreg $0xFFFFFFFF  }
0xad: {  	[dreg:$0x0] =	wrdreg $0x60  }
0xae: {  	[dreg:$0x2] =	wrdreg s24  }
0xaf: {  	[dreg:$0x3] =	wrdreg s2  }
0xb0: {  	[dreg:$0x4] =	wrdreg $0x9  }
0xb1: {  	_ =	task.clear_ibuf [dreg:s7], $0x5FFFF;
	_ =	strace $0x90000046  }
0xb2: {  	s29 =	simm.s32 $0x9;
	_ =	strace $0x80000048  }
0xb3: {  	_ =	swait.ge [sflag:s29], $0x1  }
0xb4: {  	[sflag:s29] =	ssyncadd.s32 $0xFFFFFFFF  }
0xb5: {  	_ =	strace $0x90000048  }
0xb6: {  	_ =	sfence  }
0xb7: {  	s30 =	sld [smem:$0x0];
	_ =	sdelay $0x2  }
0xb8: {  	s31 =	sshll.u32 s1, $0xD;
	s1 =	sshrl.u32 s1, $0x2  }
0xb9: {  	s3 =	sand.u32 $0x4000, s31;
	s1 =	sadd.s32 s1, s30  }
0xba: {  	s0 =	sor.u32 s3, s0;
	s1 =	sshll.u32 s1, $0x11  }
0xbb: {  	s0 =	sor.u32 s1, s0  }
0xbc: {  	s0 =	sadd.s32 $0x8F2B, s0  }
0xbd: {  	[sflag:s0] =	ssyncadd.remote.s32 $0x1  }
0xbe: {  	_ =	sfence.sel $0xFFFF  }
0xbf: {  	[dreg:$0x0] =	wrdreg $0xFFFFFFFF;
	(pc) =	sbr.abs _section_cstart, $3  }
0xc0: {  	[dreg:$0x1] =	wrdreg $0xFFFFFFFF  }
0xc1: {  	_ =	task.clear_ibuf [dreg:s7], $0x2FFFF;
	_ =	strace $0x9FFFFFFF  }
0xc2: {  	(tm) =	ssettm $0x7FFFFFFF  }
0xc3: {  	_ =	shalt  }
tec
execute0_lowered:
.L_overlay_start_1:
0x0: {  	(tag) =	ssettag $0x1  }
0x1: {  	s0 =	srdreg.scid  }
0x2: {  	s2 =	stileid.u32;
	s4 =	rddreg [dreg:$0x0]  }
0x3: {  	s5 =	rddreg [dreg:$0x1];
	s11 =	simm.s32 $0xA;
	s15 =	simm.s32 $0x3  }
0x4: {  	s16 =	simm.s32 $0x4;
	s17 =	simm.s32 $0x5;
	s18 =	simm.s32 $0x6  }
0x5: {  	s19 =	simm.s32 $0x7;
	s20 =	simm.s32 $0x8;
	s0 =	sand.u32 $0x1, s0  }
0x6: {  	s1 =	sshll.u32 s2, $0x1;
	s3 =	sshll.u32 s2, $0x7;
	s2 =	simm.s32 $0x0  }
0x7: {  	s21 =	simm.s32 $0x9;
	s1 =	sor.u32 s0, s1;
	[smem:$0x7FF] =	sst s2  }
0x8: {  	s0 =	ssub.s32 $0x2, s0;
	s6 =	sshll.u32 s1, $0x4;
	s1 =	sshll.u32 s1, $0xD  }
0x9: {  	_ =	strace $0x80000047;
	s7 =	sadd.s32 s1, s4;
	s1 =	sand.u32 $0xE000, s1  }
0xa: {  	s29 =	sshrl.u32 s0, $0x1;
	s3 =	sor.u32 s3, s6;
	s1 =	sadd.s32 s5, s1  }
0xb: {  	s0 =	ssub.s32 s0, s29;
	s31 =	sadd.s32 $0xF43000, s7;
	[dreg:$0x4] =	wrdreg s1  }
0xc: {  	s3 =	sand.u32 $0x670, s3;
	s0 =	smax.u32 s0, $0x1;
	[dreg:$0x6] =	wrdreg s31  }
0xd: {  	s28 =	sadd.s32 s3, s4;
	s1 =	sadd.s32 $0x1000, s1;
	[dreg:$0x7] =	wrdreg s0  }
0xe: {  	s23 =	simm.s32 $0x0;
	s30 =	sadd.s32 $0x400, s28;
	[dreg:$0x5] =	wrdreg s1  }
0xf: {  	s5 =	simm.s32 $0x10200;
	s3 =	sadd.s32 $0xC00, s4;
	[dreg:$0x3] =	wrdreg s30  }
.LBB2_1:
0x10: {  	s0 =	rddreg [dreg:$0x3];
	s1 =	simm.s32 $0x80;
	s4 =	simm.s32 $0x400  }
0x11: {  	[tilespmem:s2], [sflag:$0xA] =	stream.strided.gather [hbm4b:s0+s1], $0x200, s4, s1, $0x38;
	[tilespmem:$0x18200] =	vst v63  }
0x12: {  	_ =	swait.ge [sflag:s11], $0x200  }
0x13: {  	[sflag:s11] =	ssyncset.done $0x0  }
0x14: {  	s31 =	rddreg [dreg:$0x4];
	[sflag:s11] =	ssyncadd.s32 $0xFFFFFE00  }
0x15: {  	[tilespmem:s5], [sflag:$0x9] =	stream.linear.gather [hbm4b:s31+s2], $0x8000, $0x38;
	[tilespmem:$0x18200] =	vst v63  }
0x16: {  	v0 =	vld [tilespmem:s2+$0x0];
	_ =	sdelay $0x4  }
0x17: {  	v0 =	vshll.u32 v0, $0x4  }
0x18: {  	(v2sf) =	vpush v0, $0x0  }
0x19: {  	(v2sf) =	vpush v0, $0x1  }
0x1a: {  	(v2sf) =	vpush v0, $0x2;
	_ =	sdelay $0x1  }
0x1b: {  	(v2sf) =	vpush v0, $0x4;
	_ =	sdelay $0x1  }
0x1c: {  	(v2sf) =	vpush v0, $0x3  }
0x1d: {  	(v2sf) =	vpush v0, $0x5  }
0x1e: {  	s25 =	simm.s32 $0x2000;
	s24 =	simm.s32 $0x0;
	s26 =	simm.s32 $0x0;
	(v2sf) =	vpush v0, $0x6  }
.LBB2_2:
0x1f: {  	p0 =	sne.s32 s25, $0x3E000  }
0x20: {  	s4 =	sadd.s32 $0x280, s24;
	s31 =	sadd.s32 $0x780, s24;
	s28 =	smov.u32 s25  }
0x21: {  	s25 =	sadd.s32 $0x2000, s25;
	s9 =	sadd.s32 $0x580, s24;
	s29 =	sadd.s32 $0x800, s24;
	(v2sf) =	vpush v0, $0x7  }
0x22: {  	s22 =	sadd.s32 $0x480, s24;
	s0 =	sadd.s32 $0x600, s24;
	s30 =	sadd.s32 $0x880, s24  }
0x23: {  	s12 =	sadd.s32 $0x200, s24;
	s6 =	sadd.s32 $0x400, s24;
	(v2sf) =	vpush v0, $0x8  }
0x24: {  	s7 =	sadd.s32 $0x500, s24;
	s26 =	sadd.s32 $0x10, s26  }
0x25: {  	s8 =	sadd.s32 $0x300, s24;
	s1 =	sadd.s32 $0x700, s24;
	s10 =	spop (v2sf);
	(v2sf) =	vpush v0, $0x9  }
0x26: {  	s5 =	sand.u32 $0x1FFFFFF0, s10;
	s10 =	sadd.s32 $0x680, s24;
	s13 =	spop (v2sf)  }
0x27: {  	s5 =	sadd.s32 s3, s5;
	s13 =	sand.u32 $0x1FFFFFF0, s13;
	s14 =	spop (v2sf);
	(v2sf) =	vpush v0, $0xA  }
0x28: {  	[tilespmem:s12], [sflag:$0x1] =	stream.linear.gather [hbm4b:s5+s2], $0x80, $0x38;
	[tilespmem:$0x18200] =	vst v63  }
0x29: {  	s5 =	sadd.s32 s3, s13;
	s12 =	sadd.s32 $0x380, s24;
	s13 =	spop (v2sf);
	(v2sf) =	vpush v0, $0xB  }
0x2a: {  	[tilespmem:s4], [sflag:$0x2] =	stream.linear.gather [hbm4b:s5+s2], $0x80, $0x38;
	[tilespmem:$0x18200] =	vst v63  }
0x2b: {  	s4 =	sand.u32 $0x1FFFFFF0, s14;
	s5 =	sand.u32 $0x1FFFFFF0, s13;
	s13 =	spop (v2sf);
	(v2sf) =	vpush v0, $0xC  }
0x2c: {  	s4 =	sadd.s32 s3, s4;
	s13 =	sand.u32 $0x1FFFFFF0, s13;
	s14 =	spop (v2sf)  }
0x2d: {  	[tilespmem:s8], [sflag:$0x3] =	stream.linear.gather [hbm4b:s4+s2], $0x80, $0x38;
	(v2sf) =	vpush v0, $0xD;
	[tilespmem:$0x18200] =	vst v63  }
0x2e: {  	s4 =	sadd.s32 s3, s13;
	s8 =	sand.u32 $0x1FFFFFF0, s14;
	s13 =	spop (v2sf)  }
0x2f: {  	[tilespmem:s12], [sflag:$0x4] =	stream.linear.gather [hbm4b:s4+s2], $0x80, $0x38;
	(v2sf) =	vpush v0, $0xE;
	[tilespmem:$0x18200] =	vst v63  }
0x30: {  	s4 =	sadd.s32 s3, s5;
	s5 =	sand.u32 $0x1FFFFFF0, s13;
	s12 =	spop (v2sf)  }
0x31: {  	[tilespmem:s6], [sflag:$0x5] =	stream.linear.gather [hbm4b:s4+s2], $0x80, $0x38;
	(v2sf) =	vpush v0, $0xF;
	[tilespmem:$0x18200] =	vst v63  }
0x32: {  	s4 =	sadd.s32 s3, s8;
	s6 =	sand.u32 $0x1FFFFFF0, s12;
	s8 =	spop (v2sf)  }
0x33: {  	[tilespmem:s22], [sflag:$0x6] =	stream.linear.gather [hbm4b:s4+s2], $0x80, $0x38;
	[tilespmem:$0x18200] =	vst v63  }
0x34: {  	s4 =	sadd.s32 s3, s5;
	s5 =	sand.u32 $0x1FFFFFF0, s8;
	s8 =	spop (v2sf)  }
0x35: {  	[tilespmem:s7], [sflag:$0x7] =	stream.linear.gather [hbm4b:s4+s2], $0x80, $0x38;
	[tilespmem:$0x18200] =	vst v63  }
0x36: {  	s4 =	sadd.s32 s3, s6;
	s6 =	sand.u32 $0x1FFFFFF0, s8;
	s7 =	spop (v2sf)  }
0x37: {  	[tilespmem:s9], [sflag:$0x8] =	stream.linear.gather [hbm4b:s4+s2], $0x80, $0x38;
	[tilespmem:$0x18200] =	vst v63  }
0x38: {  	s4 =	sadd.s32 s3, s5;
	s5 =	sand.u32 $0x1FFFFFF0, s7;
	s7 =	spop (v2sf)  }
0x39: {  	[tilespmem:s0], [sflag:$0x1] =	stream.linear.gather [hbm4b:s4+s2], $0x80, $0x38;
	[tilespmem:$0x18200] =	vst v63  }
0x3a: {  	s0 =	sadd.s32 s3, s6;
	s4 =	sand.u32 $0x1FFFFFF0, s7;
	s6 =	spop (v2sf)  }
0x3b: {  	[tilespmem:s10], [sflag:$0x2] =	stream.linear.gather [hbm4b:s0+s2], $0x80, $0x38;
	[tilespmem:$0x18200] =	vst v63  }
0x3c: {  	s0 =	sadd.s32 s3, s5;
	s5 =	sand.u32 $0x1FFFFFF0, s6;
	s6 =	spop (v2sf)  }
0x3d: {  	[tilespmem:s1], [sflag:$0x3] =	stream.linear.gather [hbm4b:s0+s2], $0x80, $0x38;
	[tilespmem:$0x18200] =	vst v63  }
0x3e: {  	s0 =	sadd.s32 s3, s4;
	s1 =	sand.u32 $0x1FFFFFF0, s6;
	s4 =	spop (v2sf)  }
0x3f: {  	[tilespmem:s31], [sflag:$0x4] =	stream.linear.gather [hbm4b:s0+s2], $0x80, $0x38;
	[tilespmem:$0x18200] =	vst v63  }
0x40: {  	s0 =	sadd.s32 s3, s5;
	s4 =	sand.u32 $0x1FFFFFF0, s4;
	s5 =	spop (v2sf)  }
0x41: {  	[tilespmem:s29], [sflag:$0x5] =	stream.linear.gather [hbm4b:s0+s2], $0x80, $0x38;
	[tilespmem:$0x18200] =	vst v63  }
0x42: {  	s0 =	sadd.s32 s3, s1;
	s1 =	sand.u32 $0x1FFFFFF0, s5  }
0x43: {  	[tilespmem:s30], [sflag:$0x6] =	stream.linear.gather [hbm4b:s0+s2], $0x80, $0x38;
	[tilespmem:$0x18200] =	vst v63  }
0x44: {  	s4 =	sadd.s32 s3, s4;
	s0 =	sadd.s32 $0x900, s24  }
0x45: {  	[tilespmem:s0], [sflag:$0x7] =	stream.linear.gather [hbm4b:s4+s2], $0x80, $0x38;
	[tilespmem:$0x18200] =	vst v63  }
0x46: {  	s1 =	sadd.s32 s3, s1;
	s0 =	sadd.s32 $0x980, s24  }
0x47: {  	[tilespmem:s0], [sflag:$0x8] =	stream.linear.gather [hbm4b:s1+s2], $0x80, $0x38;
	[tilespmem:$0x18200] =	vst v63  }
0x48: {  	v0 =	vld [tilespmem:s26+$0x0];
	_ =	sdelay $0x4  }
0x49: {  	v0 =	vshll.u32 v0, $0x4  }
0x4a: {  	(v2sf) =	vpush v0, $0x0  }
0x4b: {  	(v2sf) =	vpush v0, $0x1  }
0x4c: {  	(v2sf) =	vpush v0, $0x2;
	_ =	sdelay $0x1  }
0x4d: {  	(v2sf) =	vpush v0, $0x4  }
.Ltmp0:
0x4e: {  	(pc) =	sbr.rel @p0 .LBB2_2-.Ltmp0, $3  }
0x4f: {  	(v2sf) =	vpush v0, $0x3  }
0x50: {  	(v2sf) =	vpush v0, $0x5;
	_ =	sdelay $0x1  }
0x51: {  	s24 =	sshra.s32 s28, $0x2;
	(v2sf) =	vpush v0, $0x6  }
0x52: {  	_ =	sdelay $0x5  }
0x53: {  	s0 =	spop (v2sf)  }
0x54: {  	s1 =	spop (v2sf)  }
0x55: {  	s7 =	spop (v2sf)  }
0x56: {  	s10 =	spop (v2sf);
	(v2sf) =	vpush v0, $0x7  }
0x57: {  	s0 =	sand.u32 $0x1FFFFFF0, s0  }
0x58: {  	s4 =	sadd.s32 $0x200, s24;
	s0 =	sadd.s32 s3, s0  }
0x59: {  	[tilespmem:s4], [sflag:$0x1] =	stream.linear.gather [hbm4b:s0+s2], $0x80, $0x38;
	[tilespmem:$0x18200] =	vst v63  }
0x5a: {  	s1 =	sand.u32 $0x1FFFFFF0, s1;
	s12 =	spop (v2sf);
	(v2sf) =	vpush v0, $0x8  }
0x5b: {  	s6 =	sadd.s32 $0x280, s24;
	s1 =	sadd.s32 s3, s1  }
0x5c: {  	[tilespmem:s6], [sflag:$0x2] =	stream.linear.gather [hbm4b:s1+s2], $0x80, $0x38;
	[tilespmem:$0x18200] =	vst v63  }
0x5d: {  	s8 =	sand.u32 $0x1FFFFFF0, s7;
	s25 =	spop (v2sf);
	(v2sf) =	vpush v0, $0x9  }
0x5e: {  	s9 =	sadd.s32 $0x300, s24;
	s0 =	sadd.s32 s3, s8  }
0x5f: {  	[tilespmem:s9], [sflag:$0x3] =	stream.linear.gather [hbm4b:s0+s2], $0x80, $0x38;
	[tilespmem:$0x18200] =	vst v63  }
0x60: {  	s0 =	sand.u32 $0x1FFFFFF0, s12;
	s28 =	spop (v2sf);
	(v2sf) =	vpush v0, $0xA  }
0x61: {  	s13 =	sadd.s32 $0x380, s24;
	s14 =	sand.u32 $0x1FFFFFF0, s10;
	s0 =	sadd.s32 s3, s0  }
0x62: {  	[tilespmem:s13], [sflag:$0x4] =	stream.linear.gather [hbm4b:s0+s2], $0x80, $0x38;
	[tilespmem:$0x18200] =	vst v63  }
0x63: {  	s22 =	sadd.s32 $0x400, s24;
	s0 =	sadd.s32 s3, s14  }
0x64: {  	[tilespmem:s22], [sflag:$0x5] =	stream.linear.gather [hbm4b:s0+s2], $0x80, $0x38;
	[tilespmem:$0x18200] =	vst v63  }
0x65: {  	s0 =	sand.u32 $0x1FFFFFF0, s25;
	s30 =	spop (v2sf);
	(v2sf) =	vpush v0, $0xB  }
0x66: {  	s26 =	sadd.s32 $0x480, s24;
	s0 =	sadd.s32 s3, s0  }
0x67: {  	[tilespmem:s26], [sflag:$0x6] =	stream.linear.gather [hbm4b:s0+s2], $0x80, $0x38;
	[tilespmem:$0x18200] =	vst v63  }
0x68: {  	s0 =	sand.u32 $0x1FFFFFF0, s28  }
0x69: {  	s29 =	sadd.s32 $0x500, s24;
	s0 =	sadd.s32 s3, s0;
	s1 =	spop (v2sf);
	(v2sf) =	vpush v0, $0xC  }
0x6a: {  	[tilespmem:s29], [sflag:$0x7] =	stream.linear.gather [hbm4b:s0+s2], $0x80, $0x38;
	[tilespmem:$0x18200] =	vst v63  }
0x6b: {  	s0 =	sand.u32 $0x1FFFFFF0, s30  }
0x6c: {  	s31 =	sadd.s32 $0x580, s24;
	s0 =	sadd.s32 s3, s0;
	s5 =	spop (v2sf);
	(v2sf) =	vpush v0, $0xD  }
0x6d: {  	[tilespmem:s31], [sflag:$0x8] =	stream.linear.gather [hbm4b:s0+s2], $0x80, $0x38;
	[tilespmem:$0x18200] =	vst v63  }
0x6e: {  	s0 =	sand.u32 $0x1FFFFFF0, s1  }
0x6f: {  	s4 =	sadd.s32 $0x600, s24;
	s0 =	sadd.s32 s3, s0;
	s7 =	spop (v2sf);
	(v2sf) =	vpush v0, $0xE  }
0x70: {  	[tilespmem:s4], [sflag:$0x1] =	stream.linear.gather [hbm4b:s0+s2], $0x80, $0x38;
	[tilespmem:$0x18200] =	vst v63  }
0x71: {  	s0 =	sand.u32 $0x1FFFFFF0, s5  }
0x72: {  	s6 =	sadd.s32 $0x680, s24;
	s0 =	sadd.s32 s3, s0  }
0x73: {  	[tilespmem:s6], [sflag:$0x2] =	stream.linear.gather [hbm4b:s0+s2], $0x80, $0x38;
	[tilespmem:$0x18200] =	vst v63  }
0x74: {  	s0 =	sand.u32 $0x1FFFFFF0, s7;
	s9 =	spop (v2sf);
	(v2sf) =	vpush v0, $0xF  }
0x75: {  	s8 =	sadd.s32 $0x700, s24;
	s0 =	sadd.s32 s3, s0  }
0x76: {  	[tilespmem:s8], [sflag:$0x3] =	stream.linear.gather [hbm4b:s0+s2], $0x80, $0x38;
	[tilespmem:$0x18200] =	vst v63  }
0x77: {  	s0 =	sand.u32 $0x1FFFFFF0, s9  }
0x78: {  	s10 =	sadd.s32 $0x780, s24;
	s0 =	sadd.s32 s3, s0;
	s12 =	spop (v2sf)  }
0x79: {  	[tilespmem:s10], [sflag:$0x4] =	stream.linear.gather [hbm4b:s0+s2], $0x80, $0x38;
	[tilespmem:$0x18200] =	vst v63  }
0x7a: {  	s0 =	sand.u32 $0x1FFFFFF0, s12  }
0x7b: {  	s13 =	sadd.s32 $0x800, s24;
	s14 =	spop (v2sf);
	s0 =	sadd.s32 s3, s0  }
0x7c: {  	[tilespmem:s13], [sflag:$0x5] =	stream.linear.gather [hbm4b:s0+s2], $0x80, $0x38;
	[tilespmem:$0x18200] =	vst v63  }
0x7d: {  	s0 =	sand.u32 $0x1FFFFFF0, s14  }
0x7e: {  	s22 =	sadd.s32 $0x880, s24;
	s25 =	spop (v2sf);
	s0 =	sadd.s32 s3, s0  }
0x7f: {  	[tilespmem:s22], [sflag:$0x6] =	stream.linear.gather [hbm4b:s0+s2], $0x80, $0x38;
	[tilespmem:$0x18200] =	vst v63  }
0x80: {  	s0 =	sand.u32 $0x1FFFFFF0, s25  }
0x81: {  	s26 =	sadd.s32 $0x900, s24;
	s0 =	sadd.s32 s3, s0  }
0x82: {  	[tilespmem:s26], [sflag:$0x7] =	stream.linear.gather [hbm4b:s0+s2], $0x80, $0x38;
	[tilespmem:$0x18200] =	vst v63  }
0x83: {  	s28 =	spop (v2sf)  }
0x84: {  	s0 =	sand.u32 $0x1FFFFFF0, s28  }
0x85: {  	s29 =	sadd.s32 $0x980, s24;
	s30 =	simm.s32 $0x1;
	s0 =	sadd.s32 s3, s0  }
0x86: {  	[tilespmem:s29], [sflag:$0x8] =	stream.linear.gather [hbm4b:s0+s2], $0x80, $0x38;
	[tilespmem:$0x18200] =	vst v63  }
0x87: {  	_ =	swait.ge [sflag:s30], $0x2000  }
0x88: {  	[sflag:s30] =	ssyncset.done $0x0  }
0x89: {  	s31 =	simm.s32 $0x2;
	[sflag:s30] =	ssyncadd.s32 $0xFFFFE000  }
0x8a: {  	_ =	swait.ge [sflag:s31], $0x2000  }
0x8b: {  	[sflag:s31] =	ssyncset.done $0x0  }
0x8c: {  	[sflag:s31] =	ssyncadd.s32 $0xFFFFE000  }
0x8d: {  	_ =	swait.ge [sflag:s15], $0x2000  }
0x8e: {  	[sflag:s15] =	ssyncset.done $0x0  }
0x8f: {  	[sflag:s15] =	ssyncadd.s32 $0xFFFFE000  }
0x90: {  	_ =	swait.ge [sflag:s16], $0x2000  }
0x91: {  	[sflag:s16] =	ssyncset.done $0x0  }
0x92: {  	[sflag:s16] =	ssyncadd.s32 $0xFFFFE000  }
0x93: {  	_ =	swait.ge [sflag:s17], $0x2000  }
0x94: {  	[sflag:s17] =	ssyncset.done $0x0  }
0x95: {  	[sflag:s17] =	ssyncadd.s32 $0xFFFFE000  }
0x96: {  	_ =	swait.ge [sflag:s18], $0x2000  }
0x97: {  	[sflag:s18] =	ssyncset.done $0x0  }
0x98: {  	[sflag:s18] =	ssyncadd.s32 $0xFFFFE000  }
0x99: {  	_ =	swait.ge [sflag:s19], $0x2000  }
0x9a: {  	[sflag:s19] =	ssyncset.done $0x0  }
0x9b: {  	[sflag:s19] =	ssyncadd.s32 $0xFFFFE000  }
0x9c: {  	_ =	swait.ge [sflag:s20], $0x2000  }
0x9d: {  	[sflag:s20] =	ssyncset.done $0x0  }
0x9e: {  	[sflag:s20] =	ssyncadd.s32 $0xFFFFE000  }
0x9f: {  	_ =	swait.ge [sflag:s21], $0x8000  }
0xa0: {  	[sflag:s21] =	ssyncset.done $0x0  }
0xa1: {  	s0 =	simm.s32 $0x0;
	[sflag:s21] =	ssyncadd.s32 $0xFFFF8000  }
0xa2: {  	v5 =	vld [tilespmem:s0+$0x10200]  }
0xa3: {  	v6 =	vld [tilespmem:s0+$0x10210]  }
0xa4: {  	v1 =	vld [tilespmem:s0+$0x10220]  }
0xa5: {  	v0 =	vld [tilespmem:s0+$0x10230]  }
0xa6: {  	v2 =	vld [tilespmem:s0+$0x200]  }
0xa7: {  	v4 =	vld [tilespmem:s0+$0x210]  }
0xa8: {  	s1 =	simm.s32 $0x200;
	v3 =	vld [tilespmem:s0+$0x220]  }
.LBB2_4:
0xa9: {  	s4 =	sshra.s32 s1, $0x2;
	p0 =	sne.s32 s1, $0x1FE00;
	v7 =	vld [tilespmem:s0+$0x230];
	v8 =	vmov v1  }
0xaa: {  	v9 =	vld [tilespmem:s4+$0x10200];
	v10 =	vmov v0  }
0xab: {  	v11 =	vld [tilespmem:s4+$0x10210];
	v2 =	vadd.f32 v5, v2  }
.Ltmp1:
0xac: {  	v1 =	vld [tilespmem:s4+$0x10220];
	v4 =	vadd.f32 v6, v4;
	(pc) =	sbr.rel @p0 .LBB2_4-.Ltmp1, $4  }
0xad: {  	v0 =	vld [tilespmem:s4+$0x10230];
	[tilespmem:s0+$0x200] =	vst v2;
	v3 =	vadd.f32 v8, v3  }
0xae: {  	v2 =	vld [tilespmem:s4+$0x200];
	[tilespmem:s0+$0x210] =	vst v4;
	v7 =	vadd.f32 v10, v7  }
0xaf: {  	v4 =	vld [tilespmem:s4+$0x210];
	[tilespmem:s0+$0x220] =	vst v3;
	v5 =	vmov v9  }
0xb0: {  	s1 =	sadd.s32 $0x200, s1;
	v3 =	vld [tilespmem:s4+$0x220];
	[tilespmem:s0+$0x230] =	vst v7;
	v6 =	vmov v11;
	s0 =	smov.u32 s4  }
0xb1: {  	v7 =	vld [tilespmem:s0+$0x230];
	_ =	sdelay $0x1  }
0xb2: {  	v2 =	vadd.f32 v5, v2  }
0xb3: {  	v4 =	vadd.f32 v6, v4  }
0xb4: {  	[tilespmem:s0+$0x200] =	vst v2;
	v1 =	vadd.f32 v1, v3  }
0xb5: {  	[tilespmem:s0+$0x210] =	vst v4;
	v0 =	vadd.f32 v0, v7  }
0xb6: {  	[tilespmem:s0+$0x220] =	vst v1  }
0xb7: {  	s31 =	simm.s32 $0x0;
	s1 =	rddreg [dreg:$0x5];
	s5 =	simm.s32 $0x10200;
	[tilespmem:s0+$0x230] =	vst v0  }
0xb8: {  	[tilespmem:s5], [sflag:$0x9] =	stream.linear.gather [hbm4b:s1+s31], $0x8000, $0x38;
	[tilespmem:$0x18200] =	vst v63  }
0xb9: {  	_ =	swait.ge [sflag:s21], $0x8000  }
0xba: {  	[sflag:s21] =	ssyncset.done $0x0  }
0xbb: {  	s0 =	simm.s32 $0x0;
	[sflag:s21] =	ssyncadd.s32 $0xFFFF8000  }
0xbc: {  	v5 =	vld [tilespmem:s0+$0x10200]  }
0xbd: {  	v6 =	vld [tilespmem:s0+$0x10210]  }
0xbe: {  	v1 =	vld [tilespmem:s0+$0x10220]  }
0xbf: {  	v0 =	vld [tilespmem:s0+$0x10230]  }
0xc0: {  	v2 =	vld [tilespmem:s0+$0x8200]  }
0xc1: {  	v4 =	vld [tilespmem:s0+$0x8210]  }
0xc2: {  	s1 =	simm.s32 $0x200;
	v3 =	vld [tilespmem:s0+$0x8220]  }
.LBB2_6:
0xc3: {  	s4 =	sshra.s32 s1, $0x2;
	p0 =	sne.s32 s1, $0x1FE00;
	v7 =	vld [tilespmem:s0+$0x8230];
	v8 =	vmov v1  }
0xc4: {  	v9 =	vld [tilespmem:s4+$0x10200];
	v10 =	vmov v0  }
0xc5: {  	v11 =	vld [tilespmem:s4+$0x10210];
	v2 =	vadd.f32 v5, v2  }
.Ltmp2:
0xc6: {  	v1 =	vld [tilespmem:s4+$0x10220];
	v4 =	vadd.f32 v6, v4;
	(pc) =	sbr.rel @p0 .LBB2_6-.Ltmp2, $4  }
0xc7: {  	v0 =	vld [tilespmem:s4+$0x10230];
	[tilespmem:s0+$0x8200] =	vst v2;
	v3 =	vadd.f32 v8, v3  }
0xc8: {  	v2 =	vld [tilespmem:s4+$0x8200];
	[tilespmem:s0+$0x8210] =	vst v4;
	v7 =	vadd.f32 v10, v7  }
0xc9: {  	v4 =	vld [tilespmem:s4+$0x8210];
	[tilespmem:s0+$0x8220] =	vst v3;
	v5 =	vmov v9  }
0xca: {  	s1 =	sadd.s32 $0x200, s1;
	v3 =	vld [tilespmem:s4+$0x8220];
	[tilespmem:s0+$0x8230] =	vst v7;
	v6 =	vmov v11;
	s0 =	smov.u32 s4  }
0xcb: {  	v7 =	vld [tilespmem:s0+$0x8230];
	_ =	sdelay $0x1  }
0xcc: {  	v2 =	vadd.f32 v5, v2  }
0xcd: {  	v4 =	vadd.f32 v6, v4  }
0xce: {  	[tilespmem:s0+$0x8200] =	vst v2;
	v1 =	vadd.f32 v1, v3  }
0xcf: {  	[tilespmem:s0+$0x8210] =	vst v4;
	v0 =	vadd.f32 v0, v7  }
0xd0: {  	[tilespmem:s0+$0x8220] =	vst v1  }
0xd1: {  	s30 =	rddreg [dreg:$0x6];
	s1 =	simm.s32 $0x200;
	[tilespmem:s0+$0x8230] =	vst v0  }
0xd2: {  	[hbm4b:s30+s2] =	stream.linear.scatter [tilespmem:s1], [sflag:$0xA], $0x10000, $0x38;
	[tilespmem:$0x18200] =	vst v63  }
0xd3: {  	_ =	swait.ge [sflag:s11], $0x10000  }
0xd4: {  	s23 =	sadd.s32 $0x1, s23;
	s31 =	rddreg [dreg:$0x7]  }
0xd5: {  	p0 =	sne.s32 s23, s31  }
.Ltmp3:
0xd6: {  	_ = 	snop;
	(pc) =	sbr.rel @p0 .LBB2_1-.Ltmp3, $3  }
0xd7: {  	_ =	sdelay $0x1  }
0xd8: {  	[sflag:s11] =	ssyncset.done $0x0  }
0xd9: {  	[sflag:s11] =	ssyncadd.s32 $0xFFFF0000  }
0xda: {  	_ =	sfence.sel $0x180000  }
0xdb: {  	[bflag:$0x0] =	sbarrier.arrive $0xFFFF  }
0xdc: {  	_ =	strace $0x90000047  }
0xdd: {  	s0 =	stileid.u32;
	[bflag:$0x2] =	sbarrier.arrive $0xFFFF  }
0xde: {  	p0 =	sne.s32 s0, $0x0;
	s0 =	rddreg [dreg:$0x2]  }
0xdf: {  	s0 =	sadd.s32 @!p0 $0x100000, s0  }
0xe0: {  	[sflag:s0] =	ssyncadd.tile.s32 @!p0 $0x1;
	_ =	shalt  }
.Lfunc_end2:
_tile_overlayer_lowered:
.L_overlay_start_2:
0xe1: {  	(tag) =	ssettag $0x2  }
0xe2: {  	s0 =	rddreg [dreg:$0x0];
	s2 =	stileid.u32  }
0xe3: {  	s1 =	rddreg [dreg:$0x1];
	p0 =	sne.s32 s2, $0x0  }
0xe4: {  	s3 =	rddreg [dreg:$0x2];
	[bflag:$0x3] =	sbarrier.arrive $0xFFFF;
	s2 =	simm.s32 @!p0 $0x1C0A  }
0xe5: {  	[timem:s3], [sflag:s2] =	dma.local @!p0 [hbm:s0], s1  }
0xe6: {  	s0 =	simm.s32 @!p0 $0xA  }
0xe7: {  	_ =	swait.ge @!p0 [sflag:s0], s1  }
0xe8: {  	s1 =	ssub.s32 @!p0 $0x0, s1;
	[sflag:s0] =	ssyncset.done @!p0 $0x0  }
0xe9: {  	[sflag:s0] =	ssyncadd.s32 @!p0 s1  }
0xea: {  	[bflag:$0x3] =	sbarrier.arrive $0xFFFF  }
0xeb: {  	_ =	shalt  }

</sc_bundles>
